<compile_context>
chip_gen: v7x
topology: tpu7x:2x2x1
jax: 0.10.2.dev20260603
libtpu: 0.0.44.dev20260713+nightly
codegen_flags: <defaults>
</compile_context>

<pallas_src>
import functools

import jax
import jax.numpy as jnp
from jax import lax
from jax.experimental import pallas as pl
from jax.experimental.pallas import tpu as pltpu
from jax.experimental.pallas import tpu_sc as plsc

_N = 10000
_E = 320000
_D = 128
_DE = 16
_H = 128
_G = 64

_NC = 2
_NS = 16
_EPT = _E // (_NC * _NS)
_CH = 80
_NCH = _EPT // _CH
_NP = 10240
_RPT = _NP // _NS
_NZ = _RPT // _CH

_R = 2000
_NB = _N // _R
_PB = 32000

_F32 = jnp.float32
_HI = lax.Precision.HIGHEST

_SC_MESH = plsc.VectorSubcoreMesh(core_axis_name="c", subcore_axis_name="s")
_SC_PARAMS = pltpu.CompilerParams(use_tc_tiling_on_sc=False)


def _prep_body(eir, sr, dr):
    sr[...] = eir[0]
    dr[...] = eir[1]


_prep = pl.pallas_call(
    _prep_body,
    out_shape=[jax.ShapeDtypeStruct((_E,), jnp.int32),
               jax.ShapeDtypeStruct((_E,), jnp.int32)],
)


def _sca_body(x_hbm, src_hbm, dst_hbm, aggx_out,
              src_v, d0, d1, d2, r0, r1, r2, aggx_sh,
              sd0, sd1, sd2, sg0, sg1, sg2):
    cc = lax.axis_index("c")
    ss = lax.axis_index("s")
    eb = (cc * _NS + ss) * _EPT
    rb = ss * _RPT
    sets = ((d0, r0, sd0, sg0), (d1, r1, sd1, sg1), (d2, r2, sd2, sg2))

    def _zr(i, _):
        r0[i // 8, pl.ds((i % 8) * 16, 16)] = jnp.zeros((16,), _F32)
        return 0

    lax.fori_loop(0, _CH * 8, _zr, 0)

    def _zs(k, _):
        pltpu.sync_copy(r0, aggx_sh.at[pl.ds(rb + k * _CH, _CH)])
        return 0

    lax.fori_loop(0, _NZ, _zs, 0)
    plsc.subcore_barrier()

    pltpu.sync_copy(src_hbm.at[pl.ds(eb, _EPT)], src_v)

    def _start(c, k):
        d, r, sd, sg = sets[k]
        pltpu.async_copy(dst_hbm.at[pl.ds(eb + c * _CH, _CH)], d, sd)
        pltpu.async_copy(x_hbm.at[src_v.at[pl.ds(c * _CH, _CH)]], r, sg)

    def _drain(k):
        d, r, sd, sg = sets[k]
        pltpu.make_async_copy(x_hbm.at[pl.ds(0, _CH)], r, sg).wait()
        pltpu.make_async_copy(dst_hbm.at[pl.ds(0, _CH)], d, sd).wait()
        pltpu.sync_copy(r, aggx_sh.at[d], add=True)

    _start(0, 0)
    _start(1, 1)
    _start(2, 2)

    def _body(q, _):
        c0 = 3 * q
        for k in range(3):
            _drain(k)

            @pl.when(c0 + k + 3 < _NCH)
            def _(c=c0 + k + 3, k=k):
                _start(c, k)

        return 0

    lax.fori_loop(0, _NCH // 3, _body, 0)
    _drain(0)
    _drain(1)
    plsc.subcore_barrier()

    def _wb(k, _):
        r = rb + k * _CH
        pltpu.sync_copy(aggx_sh.at[pl.ds(r, _CH)], r0)
        pltpu.sync_copy(r0, aggx_out.at[cc, pl.ds(r, _CH)])
        return 0

    lax.fori_loop(0, _NZ, _wb, 0)


_sc_aggx = functools.partial(
    pl.kernel,
    out_type=jax.ShapeDtypeStruct((_NC, _NP, _D), _F32),
    mesh=_SC_MESH,
    compiler_params=_SC_PARAMS,
    scratch_types=[
        pltpu.VMEM((_EPT,), jnp.int32),
        pltpu.VMEM((_CH,), jnp.int32),
        pltpu.VMEM((_CH,), jnp.int32),
        pltpu.VMEM((_CH,), jnp.int32),
        pltpu.VMEM((_CH, _D), _F32),
        pltpu.VMEM((_CH, _D), _F32),
        pltpu.VMEM((_CH, _D), _F32),
        pltpu.VMEM_SHARED((_NP, _D), _F32),
        pltpu.SemaphoreType.DMA,
        pltpu.SemaphoreType.DMA,
        pltpu.SemaphoreType.DMA,
        pltpu.SemaphoreType.DMA,
        pltpu.SemaphoreType.DMA,
        pltpu.SemaphoreType.DMA,
    ],
)(_sca_body)


def _scb_body(ea_hbm, dst_hbm, aggx_hbm, agge_out,
              d0, d1, d2, d3, e0, e1, e2, e3, agge_sh,
              sd0, sd1, sd2, sd3, se0, se1, se2, se3):
    del aggx_hbm
    cc = lax.axis_index("c")
    ss = lax.axis_index("s")
    eb = (cc * _NS + ss) * _EPT
    rb = ss * _RPT
    sets = ((d0, e0, sd0, se0), (d1, e1, sd1, se1),
            (d2, e2, sd2, se2), (d3, e3, sd3, se3))

    def _ze(i, _):
        e0[i, :] = jnp.zeros((16,), _F32)
        return 0

    lax.fori_loop(0, _CH, _ze, 0)

    def _zs(k, _):
        pltpu.sync_copy(e0, agge_sh.at[pl.ds(rb + k * _CH, _CH)])
        return 0

    lax.fori_loop(0, _NZ, _zs, 0)
    plsc.subcore_barrier()

    def _start(c, k):
        d, e, sd, se = sets[k]
        pltpu.async_copy(dst_hbm.at[pl.ds(eb + c * _CH, _CH)], d, sd)
        pltpu.async_copy(ea_hbm.at[pl.ds(eb + c * _CH, _CH)], e, se)

    def _drain(k):
        d, e, sd, se = sets[k]
        pltpu.make_async_copy(ea_hbm.at[pl.ds(0, _CH)], e, se).wait()
        pltpu.make_async_copy(dst_hbm.at[pl.ds(0, _CH)], d, sd).wait()
        pltpu.sync_copy(e, agge_sh.at[d], add=True)

    for k in range(4):
        _start(k, k)

    def _body(q, _):
        c0 = 4 * q
        for k in range(4):
            _drain(k)

            @pl.when(c0 + k + 4 < _NCH)
            def _(c=c0 + k + 4, k=k):
                _start(c, k)

        return 0

    lax.fori_loop(0, _NCH // 4, _body, 0)
    _drain(0)
    plsc.subcore_barrier()

    def _wb(k, _):
        r = rb + k * _CH
        pltpu.sync_copy(agge_sh.at[pl.ds(r, _CH)], e0)
        pltpu.sync_copy(e0, agge_out.at[cc, pl.ds(r, _CH)])
        return 0

    lax.fori_loop(0, _NZ, _wb, 0)


_sc_agge = functools.partial(
    pl.kernel,
    out_type=jax.ShapeDtypeStruct((_NC, _NP, _DE), _F32),
    mesh=_SC_MESH,
    compiler_params=_SC_PARAMS,
    scratch_types=[
        pltpu.VMEM((_CH,), jnp.int32),
        pltpu.VMEM((_CH,), jnp.int32),
        pltpu.VMEM((_CH,), jnp.int32),
        pltpu.VMEM((_CH,), jnp.int32),
        pltpu.VMEM((_CH, _DE), _F32),
        pltpu.VMEM((_CH, _DE), _F32),
        pltpu.VMEM((_CH, _DE), _F32),
        pltpu.VMEM((_CH, _DE), _F32),
        pltpu.VMEM_SHARED((_NP, _DE), _F32),
        pltpu.SemaphoreType.DMA,
        pltpu.SemaphoreType.DMA,
        pltpu.SemaphoreType.DMA,
        pltpu.SemaphoreType.DMA,
        pltpu.SemaphoreType.DMA,
        pltpu.SemaphoreType.DMA,
        pltpu.SemaphoreType.DMA,
        pltpu.SemaphoreType.DMA,
    ],
)(_scb_body)


def _tc_body(xr, a0r, a1r, e0r, e1r, br, wsr, wmr, wer, bmr, wpr, bpr,
             outr, gsumr, cntr):
    i = pl.program_id(0)

    @pl.when(i == 0)
    def _init():
        gsumr[...] = jnp.zeros_like(gsumr)
        cntr[...] = jnp.zeros_like(cntr)

    h = (jnp.dot(xr[...], wsr[...], precision=_HI, preferred_element_type=_F32)
         + jnp.dot(a0r[0] + a1r[0], wmr[...], precision=_HI,
                   preferred_element_type=_F32)
         + jnp.dot(e0r[0] + e1r[0], wer[...], precision=_HI,
                   preferred_element_type=_F32)
         + bmr[...])
    h = jnp.where(h > 0, h, 0.01 * h)

    oht = (br[0] == lax.broadcasted_iota(jnp.int32, (_G, _R), 0)).astype(_F32)
    gsumr[...] += jnp.dot(oht, h, precision=_HI, preferred_element_type=_F32)
    cntr[...] += jnp.dot(oht, jnp.ones((_R, _D), _F32), precision=_HI,
                         preferred_element_type=_F32)

    @pl.when(i == _NB - 1)
    def _fin():
        gmean = gsumr[...] / jnp.maximum(cntr[...], 1.0)
        n2 = jnp.sum(gmean * gmean, axis=1, keepdims=True)
        nrm = jnp.maximum(jnp.sqrt(n2), 1e-12)
        embs = (gmean / nrm).astype(jnp.bfloat16).astype(_F32)
        wp16 = wpr[...].astype(jnp.bfloat16).astype(_F32)
        outr[...] = jnp.sum(embs * wp16, axis=1, keepdims=True) + bpr[...]


_tc_head = pl.pallas_call(
    _tc_body,
    grid=(_NB,),
    in_specs=[
        pl.BlockSpec((_R, _D), lambda i: (i, 0)),
        pl.BlockSpec((1, _R, _D), lambda i: (0, i, 0)),
        pl.BlockSpec((1, _R, _D), lambda i: (1, i, 0)),
        pl.BlockSpec((1, _R, _DE), lambda i: (0, i, 0)),
        pl.BlockSpec((1, _R, _DE), lambda i: (1, i, 0)),
        pl.BlockSpec((1, 1, _R), lambda i: (i, 0, 0)),
        pl.BlockSpec((_D, _H), lambda i: (0, 0)),
        pl.BlockSpec((_D, _H), lambda i: (0, 0)),
        pl.BlockSpec((_DE, _H), lambda i: (0, 0)),
        pl.BlockSpec((1, _H), lambda i: (0, 0)),
        pl.BlockSpec((1, _H), lambda i: (0, 0)),
        pl.BlockSpec((1, 1), lambda i: (0, 0)),
    ],
    out_specs=pl.BlockSpec((_G, 1), lambda i: (0, 0)),
    out_shape=jax.ShapeDtypeStruct((_G, 1), _F32),
    scratch_shapes=[
        pltpu.VMEM((_G, _D), _F32),
        pltpu.VMEM((_G, _D), _F32),
    ],
)


def kernel(x, edge_index, edge_attr, batch, W_self, W_msg, W_edge, b_msg,
           Wp, bp):
    src, dst = _prep(edge_index)
    aggx = _sc_aggx(x, src, dst)
    agge = _sc_agge(edge_attr, dst, aggx)
    return _tc_head(x, aggx, aggx, agge, agge, batch.reshape(_NB, 1, _R),
                    W_self, W_msg, W_edge, b_msg.reshape(1, _H),
                    Wp.reshape(1, _H), bp.reshape(1, 1))

# --- scband reference (transcript-rebuilt; emitter-appended) ---
"""Pipeline reference for scband-cross-mod-net-11287174054556 (READ-ONLY COPY).

The authoritative reference and input builder live on the scoring server;
editing this copy changes nothing except your own understanding.
"""

import jax, jax.numpy as jnp
import numpy as np

N = 10000
E = 320000
D = 128
DE = 16
H = 128
G = 64
DOUT = 1


def setup_inputs(seed: int = 0) -> dict:
    key = jax.random.key(seed)
    ks = jax.random.split(key, 10)
    x = jax.random.normal(ks[0], (N, D), dtype=jnp.float32)
    edge_index = jax.random.randint(ks[1], (2, E), 0, N, dtype=jnp.int32)
    edge_attr = jax.random.normal(ks[2], (E, DE), dtype=jnp.float32)
    batch = jnp.sort(jax.random.randint(ks[3], (N,), 0, G, dtype=jnp.int32))
    W_self = jax.random.normal(ks[4], (D, H), dtype=jnp.float32) * (1.0 / np.sqrt(D))
    W_msg = jax.random.normal(ks[5], (D, H), dtype=jnp.float32) * (1.0 / np.sqrt(D))
    W_edge = jax.random.normal(ks[6], (DE, H), dtype=jnp.float32) * (1.0 / np.sqrt(DE))
    b_msg = jnp.zeros((H,), dtype=jnp.float32)
    Wp = jax.random.normal(ks[7], (H, DOUT), dtype=jnp.float32) * (1.0 / np.sqrt(H))
    bp = jnp.zeros((DOUT,), dtype=jnp.float32)
    return {"x": x, "edge_index": edge_index, "edge_attr": edge_attr, "batch": batch,
            "W_self": W_self, "W_msg": W_msg, "W_edge": W_edge, "b_msg": b_msg,
            "Wp": Wp, "bp": bp}


def reference(x, edge_index, edge_attr, batch, W_self, W_msg, W_edge, b_msg, Wp, bp):
    # emb_net: edge-conditioned message passing + global mean pool
    src = edge_index[0]
    dst = edge_index[1]
    msg = jnp.take(x, src, axis=0) @ W_msg + edge_attr @ W_edge  # gather + dense
    agg = jax.ops.segment_sum(msg, dst, num_segments=N)          # scatter-add
    h = x @ W_self + agg + b_msg
    h = jnp.where(h > 0, h, 0.01 * h)  # leaky_relu
    # global mean pool per graph
    gsum = jax.ops.segment_sum(h, batch, num_segments=G)
    cnt = jax.ops.segment_sum(jnp.ones((N, 1), dtype=jnp.float32), batch, num_segments=G)
    gmean = gsum / jnp.maximum(cnt, 1.0)
    # F.normalize(p=2, dim=1) with eps=1e-12
    nrm = jnp.maximum(jnp.linalg.norm(gmean, axis=1, keepdims=True), 1e-12)
    embs = gmean / nrm
    # pred_net: Linear(dim_hidden, dim_out)
    out = embs @ Wp + bp
    return out

if __name__ == "__main__":
    import jax
    _d = setup_inputs()
    print(jax.jit(kernel)(*tuple(_d.values())))

</pallas_src>

<mosaic_0001>
#map = affine_map<(d0, d1) -> (0, 0)>
#map1 = affine_map<(d0, d1) -> (0)>
#map2 = affine_map<(d0, d1) -> (0, 0, 0)>
module attributes {stable_mosaic.version = 14 : i64} {
  func.func @_scb_body(%arg0: i32, %arg1: i32, %arg2: memref<320000x16xf32, #tpu.memory_space<hbm>>, %arg3: memref<320000xi32, #tpu.memory_space<hbm>>, %arg4: memref<2x10240x128xf32, #tpu.memory_space<hbm>>, %arg5: memref<2x10240x16xf32, #tpu.memory_space<hbm>>, %arg6: memref<80xi32, #tpu.memory_space<vmem>>, %arg7: memref<80xi32, #tpu.memory_space<vmem>>, %arg8: memref<80xi32, #tpu.memory_space<vmem>>, %arg9: memref<80xi32, #tpu.memory_space<vmem>>, %arg10: memref<80x16xf32, #tpu.memory_space<vmem>>, %arg11: memref<80x16xf32, #tpu.memory_space<vmem>>, %arg12: memref<80x16xf32, #tpu.memory_space<vmem>>, %arg13: memref<80x16xf32, #tpu.memory_space<vmem>>, %arg14: memref<10240x16xf32, #tpu.memory_space<vmem_shared>>, %arg15: memref<!tpu.dma_semaphore, #tpu.memory_space<semaphore_mem>>, %arg16: memref<!tpu.dma_semaphore, #tpu.memory_space<semaphore_mem>>, %arg17: memref<!tpu.dma_semaphore, #tpu.memory_space<semaphore_mem>>, %arg18: memref<!tpu.dma_semaphore, #tpu.memory_space<semaphore_mem>>, %arg19: memref<!tpu.dma_semaphore, #tpu.memory_space<semaphore_mem>>, %arg20: memref<!tpu.dma_semaphore, #tpu.memory_space<semaphore_mem>>, %arg21: memref<!tpu.dma_semaphore, #tpu.memory_space<semaphore_mem>>, %arg22: memref<!tpu.dma_semaphore, #tpu.memory_space<semaphore_mem>>) attributes {dimension_semantics = [#tpu.dimension_semantics<core_parallel>, #tpu.dimension_semantics<subcore_parallel>], iteration_bounds = array<i64: 2, 16>, scalar_prefetch = 0 : i64, scratch_operands = 17 : i64, tpu.core_type = #tpu.core_type<sc_vector_subcore>, window_params = [{transform_indices = #map}, {transform_indices = #map1}, {transform_indices = #map2}, {transform_indices = #map2}]} {
    %mul3A = arith.constant 16 : i32
    %mul3A_0 = arith.muli %arg0, %mul3A : i32
    %add3A = arith.addi %mul3A_0, %arg1 : i32
    %mul3A_1 = arith.constant 10000 : i32
    %mul3A_2 = arith.muli %add3A, %mul3A_1 : i32
    %mul3A_3 = arith.constant 640 : i32
    %mul3A_4 = arith.muli %arg1, %mul3A_3 : i32
    %scan3A = arith.constant 0 : i32
    %scan3A_5 = arith.constant 0 : i32
    %scan3A_6 = arith.constant 80 : i32
    %scan3A_7 = arith.addi %scan3A_5, %scan3A_6 : i32
    %scan3A_8 = arith.constant 1 : i32
    %scan3A_9 = scf.for %scan3A_81 = %scan3A_5 to %scan3A_7 step %scan3A_8 iter_args(%scan3A_82 = %scan3A) -> (i32)  : i32 {
      %broadcast_in_dim3A = arith.constant 0.000000e+00 : f32
      %broadcast_in_dim3A_83 = vector.broadcast %broadcast_in_dim3A : f32 to vector<16xf32>
      %swap3A = arith.index_cast %scan3A_81 : i32 to index
      %swap3A_84 = arith.constant 0 : index
      %swap3A_85 = tpu.vector_load %arg10[%swap3A, %swap3A_84] {strides = array<i32>} : memref<80x16xf32, #tpu.memory_space<vmem>>, vector<1x16xf32>,
      %swap3A_86 = vector.shape_cast %swap3A_85 : vector<1x16xf32> to vector<16xf32>
      %swap3A_87 = vector.shape_cast %broadcast_in_dim3A_83 : vector<16xf32> to vector<1x16xf32>
      tpu.vector_store %arg10[%swap3A, %swap3A_84], %swap3A_87 {strides = array<i32>} : memref<80x16xf32, #tpu.memory_space<vmem>>, vector<1x16xf32>,
      %scan3A_88 = arith.constant 0 : i32
      scf.yield %scan3A_88 : i32
    }
    %scan3A_10 = arith.constant 80 : i32
    %scan3A_11 = arith.constant 0 : i32
    %scan3A_12 = arith.constant 0 : i32
    %scan3A_13 = arith.constant 8 : i32
    %scan3A_14 = arith.addi %scan3A_12, %scan3A_13 : i32
    %scan3A_15 = arith.constant 1 : i32
    %scan3A_16 = scf.for %scan3A_81 = %scan3A_12 to %scan3A_14 step %scan3A_15 iter_args(%scan3A_82 = %scan3A_11) -> (i32)  : i32 {
      %mul3A_83 = arith.constant 80 : i32
      %mul3A_84 = arith.muli %scan3A_81, %mul3A_83 : i32
      %add3A_85 = arith.addi %mul3A_4, %mul3A_84 : i32
      "tpu.region"() ({
        %run_scoped3A = tpu.sem_alloc : memref<!tpu.dma_semaphore, #tpu.memory_space<semaphore_mem>>
        %dma_start3A_87 = arith.constant 0 : i32
        %dma_start3A_88 = tpu.memref_slice %arg14[%add3A_85, %dma_start3A_87] : memref<10240x16xf32, #tpu.memory_space<vmem_shared>> -> memref<80x16xf32, #tpu.memory_space<vmem_shared>>
        %dma_start3A_89 = arith.constant 0 : i32
        %dma_start3A_90 = tpu.memref_slice %arg14[%add3A_85, %dma_start3A_89] : memref<10240x16xf32, #tpu.memory_space<vmem_shared>> -> memref<80x16xf32, #tpu.memory_space<vmem_shared>>
        tpu.enqueue_dma source(%arg10 : memref<80x16xf32, #tpu.memory_space<vmem>>) target(%dma_start3A_90 : memref<80x16xf32, #tpu.memory_space<vmem_shared>>) target_semaphore(%run_scoped3A : memref<!tpu.dma_semaphore, #tpu.memory_space<semaphore_mem>>)
        %dma_wait3A_91 = arith.constant 0 : i32
        %dma_wait3A_92 = tpu.memref_slice %arg14[%add3A_85, %dma_wait3A_91] : memref<10240x16xf32, #tpu.memory_space<vmem_shared>> -> memref<80x16xf32, #tpu.memory_space<vmem_shared>>
        %dma_wait3A_93 = arith.constant 0 : i32
        %dma_wait3A_94 = tpu.memref_slice %arg14[%add3A_85, %dma_wait3A_93] : memref<10240x16xf32, #tpu.memory_space<vmem_shared>> -> memref<80x16xf32, #tpu.memory_space<vmem_shared>>
        tpu.wait_dma2 semaphore(%run_scoped3A : memref<!tpu.dma_semaphore, #tpu.memory_space<semaphore_mem>>) src(%arg10 : memref<80x16xf32, #tpu.memory_space<vmem>>) dst(%dma_wait3A_94 : memref<80x16xf32, #tpu.memory_space<vmem_shared>>)
        tpu.yield
      }) : () -> ()
      %scan3A_86 = arith.constant 0 : i32
      scf.yield %scan3A_86 : i32
    }
    %scan3A_17 = arith.constant 8 : i32
    %barrier3A = arith.constant 0 : index
    tpu.barrier barrier_id(%barrier3A)
    %add3A_18 = arith.constant 0 : i32
    %add3A_19 = arith.addi %mul3A_2, %add3A_18 : i32
    %dma_start3A = tpu.memref_slice %arg3[%add3A_19] : memref<320000xi32, #tpu.memory_space<hbm>> -> memref<80xi32, #tpu.memory_space<hbm>>
    %dma_start3A_20 = tpu.memref_slice %arg3[%add3A_19] : memref<320000xi32, #tpu.memory_space<hbm>> -> memref<80xi32, #tpu.memory_space<hbm>>
    tpu.enqueue_dma source(%dma_start3A_20 : memref<80xi32, #tpu.memory_space<hbm>>) target(%arg6 : memref<80xi32, #tpu.memory_space<vmem>>) target_semaphore(%arg15 : memref<!tpu.dma_semaphore, #tpu.memory_space<semaphore_mem>>)
    %add3A_21 = arith.constant 0 : i32
    %add3A_22 = arith.addi %mul3A_2, %add3A_21 : i32
    %dma_start3A_23 = arith.constant 0 : i32
    %dma_start3A_24 = tpu.memref_slice %arg2[%add3A_22, %dma_start3A_23] : memref<320000x16xf32, #tpu.memory_space<hbm>> -> memref<80x16xf32, #tpu.memory_space<hbm>>
    %dma_start3A_25 = arith.constant 0 : i32
    %dma_start3A_26 = tpu.memref_slice %arg2[%add3A_22, %dma_start3A_25] : memref<320000x16xf32, #tpu.memory_space<hbm>> -> memref<80x16xf32, #tpu.memory_space<hbm>>
    tpu.enqueue_dma source(%dma_start3A_26 : memref<80x16xf32, #tpu.memory_space<hbm>>) target(%arg10 : memref<80x16xf32, #tpu.memory_space<vmem>>) target_semaphore(%arg19 : memref<!tpu.dma_semaphore, #tpu.memory_space<semaphore_mem>>)
    %add3A_27 = arith.constant 80 : i32
    %add3A_28 = arith.addi %mul3A_2, %add3A_27 : i32
    %dma_start3A_29 = tpu.memref_slice %arg3[%add3A_28] : memref<320000xi32, #tpu.memory_space<hbm>> -> memref<80xi32, #tpu.memory_space<hbm>>
    %dma_start3A_30 = tpu.memref_slice %arg3[%add3A_28] : memref<320000xi32, #tpu.memory_space<hbm>> -> memref<80xi32, #tpu.memory_space<hbm>>
    tpu.enqueue_dma source(%dma_start3A_30 : memref<80xi32, #tpu.memory_space<hbm>>) target(%arg7 : memref<80xi32, #tpu.memory_space<vmem>>) target_semaphore(%arg16 : memref<!tpu.dma_semaphore, #tpu.memory_space<semaphore_mem>>)
    %add3A_31 = arith.constant 80 : i32
    %add3A_32 = arith.addi %mul3A_2, %add3A_31 : i32
    %dma_start3A_33 = arith.constant 0 : i32
    %dma_start3A_34 = tpu.memref_slice %arg2[%add3A_32, %dma_start3A_33] : memref<320000x16xf32, #tpu.memory_space<hbm>> -> memref<80x16xf32, #tpu.memory_space<hbm>>
    %dma_start3A_35 = arith.constant 0 : i32
    %dma_start3A_36 = tpu.memref_slice %arg2[%add3A_32, %dma_start3A_35] : memref<320000x16xf32, #tpu.memory_space<hbm>> -> memref<80x16xf32, #tpu.memory_space<hbm>>
    tpu.enqueue_dma source(%dma_start3A_36 : memref<80x16xf32, #tpu.memory_space<hbm>>) target(%arg11 : memref<80x16xf32, #tpu.memory_space<vmem>>) target_semaphore(%arg20 : memref<!tpu.dma_semaphore, #tpu.memory_space<semaphore_mem>>)
    %add3A_37 = arith.constant 160 : i32
    %add3A_38 = arith.addi %mul3A_2, %add3A_37 : i32
    %dma_start3A_39 = tpu.memref_slice %arg3[%add3A_38] : memref<320000xi32, #tpu.memory_space<hbm>> -> memref<80xi32, #tpu.memory_space<hbm>>
    %dma_start3A_40 = tpu.memref_slice %arg3[%add3A_38] : memref<320000xi32, #tpu.memory_space<hbm>> -> memref<80xi32, #tpu.memory_space<hbm>>
    tpu.enqueue_dma source(%dma_start3A_40 : memref<80xi32, #tpu.memory_space<hbm>>) target(%arg8 : memref<80xi32, #tpu.memory_space<vmem>>) target_semaphore(%arg17 : memref<!tpu.dma_semaphore, #tpu.memory_space<semaphore_mem>>)
    %add3A_41 = arith.constant 160 : i32
    %add3A_42 = arith.addi %mul3A_2, %add3A_41 : i32
    %dma_start3A_43 = arith.constant 0 : i32
    %dma_start3A_44 = tpu.memref_slice %arg2[%add3A_42, %dma_start3A_43] : memref<320000x16xf32, #tpu.memory_space<hbm>> -> memref<80x16xf32, #tpu.memory_space<hbm>>
    %dma_start3A_45 = arith.constant 0 : i32
    %dma_start3A_46 = tpu.memref_slice %arg2[%add3A_42, %dma_start3A_45] : memref<320000x16xf32, #tpu.memory_space<hbm>> -> memref<80x16xf32, #tpu.memory_space<hbm>>
    tpu.enqueue_dma source(%dma_start3A_46 : memref<80x16xf32, #tpu.memory_space<hbm>>) target(%arg12 : memref<80x16xf32, #tpu.memory_space<vmem>>) target_semaphore(%arg21 : memref<!tpu.dma_semaphore, #tpu.memory_space<semaphore_mem>>)
    %add3A_47 = arith.constant 240 : i32
    %add3A_48 = arith.addi %mul3A_2, %add3A_47 : i32
    %dma_start3A_49 = tpu.memref_slice %arg3[%add3A_48] : memref<320000xi32, #tpu.memory_space<hbm>> -> memref<80xi32, #tpu.memory_space<hbm>>
    %dma_start3A_50 = tpu.memref_slice %arg3[%add3A_48] : memref<320000xi32, #tpu.memory_space<hbm>> -> memref<80xi32, #tpu.memory_space<hbm>>
    tpu.enqueue_dma source(%dma_start3A_50 : memref<80xi32, #tpu.memory_space<hbm>>) target(%arg9 : memref<80xi32, #tpu.memory_space<vmem>>) target_semaphore(%arg18 : memref<!tpu.dma_semaphore, #tpu.memory_space<semaphore_mem>>)
    %add3A_51 = arith.constant 240 : i32
    %add3A_52 = arith.addi %mul3A_2, %add3A_51 : i32
    %dma_start3A_53 = arith.constant 0 : i32
    %dma_start3A_54 = tpu.memref_slice %arg2[%add3A_52, %dma_start3A_53] : memref<320000x16xf32, #tpu.memory_space<hbm>> -> memref<80x16xf32, #tpu.memory_space<hbm>>
    %dma_start3A_55 = arith.constant 0 : i32
    %dma_start3A_56 = tpu.memref_slice %arg2[%add3A_52, %dma_start3A_55] : memref<320000x16xf32, #tpu.memory_space<hbm>> -> memref<80x16xf32, #tpu.memory_space<hbm>>
    tpu.enqueue_dma source(%dma_start3A_56 : memref<80x16xf32, #tpu.memory_space<hbm>>) target(%arg13 : memref<80x16xf32, #tpu.memory_space<vmem>>) target_semaphore(%arg22 : memref<!tpu.dma_semaphore, #tpu.memory_space<semaphore_mem>>)
    %scan3A_57 = arith.constant 0 : i32
    %scan3A_58 = arith.constant 0 : i32
    %scan3A_59 = arith.constant 31 : i32
    %scan3A_60 = arith.addi %scan3A_58, %scan3A_59 : i32
    %scan3A_61 = arith.constant 1 : i32
    %scan3A_62 = scf.for %scan3A_81 = %scan3A_58 to %scan3A_60 step %scan3A_61 iter_args(%scan3A_82 = %scan3A_57) -> (i32)  : i32 {
      %mul3A_83 = arith.constant 4 : i32
      %mul3A_84 = arith.muli %mul3A_83, %scan3A_81 : i32
      %dma_wait3A_85 = arith.constant 0 : i32
      %dma_wait3A_86 = arith.constant 0 : i32
      %dma_wait3A_87 = tpu.memref_slice %arg2[%dma_wait3A_85, %dma_wait3A_86] : memref<320000x16xf32, #tpu.memory_space<hbm>> -> memref<80x16xf32, #tpu.memory_space<hbm>>
      %dma_wait3A_88 = arith.constant 0 : i32
      %dma_wait3A_89 = arith.constant 0 : i32
      %dma_wait3A_90 = tpu.memref_slice %arg2[%dma_wait3A_88, %dma_wait3A_89] : memref<320000x16xf32, #tpu.memory_space<hbm>> -> memref<80x16xf32, #tpu.memory_space<hbm>>
      tpu.wait_dma2 semaphore(%arg19 : memref<!tpu.dma_semaphore, #tpu.memory_space<semaphore_mem>>) src(%dma_wait3A_90 : memref<80x16xf32, #tpu.memory_space<hbm>>) dst(%arg10 : memref<80x16xf32, #tpu.memory_space<vmem>>)
      %dma_wait3A_91 = arith.constant 0 : i32
      %dma_wait3A_92 = tpu.memref_slice %arg3[%dma_wait3A_91] : memref<320000xi32, #tpu.memory_space<hbm>> -> memref<80xi32, #tpu.memory_space<hbm>>
      %dma_wait3A_93 = arith.constant 0 : i32
      %dma_wait3A_94 = tpu.memref_slice %arg3[%dma_wait3A_93] : memref<320000xi32, #tpu.memory_space<hbm>> -> memref<80xi32, #tpu.memory_space<hbm>>
      tpu.wait_dma2 semaphore(%arg15 : memref<!tpu.dma_semaphore, #tpu.memory_space<semaphore_mem>>) src(%dma_wait3A_94 : memref<80xi32, #tpu.memory_space<hbm>>) dst(%arg6 : memref<80xi32, #tpu.memory_space<vmem>>)
      "tpu.region"() ({
        %run_scoped3A = tpu.sem_alloc : memref<!tpu.dma_semaphore, #tpu.memory_space<semaphore_mem>>
        %dma_start3A_175 = arith.constant 0 : i32
        %dma_start3A_176 = arith.constant 0 : i32
        %dma_start3A_177 = tpu.memref_slice %arg14[%dma_start3A_175, %dma_start3A_176] : memref<10240x16xf32, #tpu.memory_space<vmem_shared>> -> memref<10240x16xf32, #tpu.memory_space<vmem_shared>>
        tpu.enqueue_indirect_dma source(%arg10 : memref<80x16xf32, #tpu.memory_space<vmem>>) target(%dma_start3A_177 : memref<10240x16xf32, #tpu.memory_space<vmem_shared>>) offsets(%arg6 : memref<80xi32, #tpu.memory_space<vmem>>) semaphore(%run_scoped3A : memref<!tpu.dma_semaphore, #tpu.memory_space<semaphore_mem>>) {add = true}
        %dma_wait3A_178 = arith.constant 0 : i32
        %dma_wait3A_179 = arith.constant 0 : i32
        %dma_wait3A_180 = tpu.memref_slice %arg14[%dma_wait3A_178, %dma_wait3A_179] : memref<10240x16xf32, #tpu.memory_space<vmem_shared>> -> memref<10240x16xf32, #tpu.memory_space<vmem_shared>>
        tpu.wait_indirect_dma semaphore(%run_scoped3A : memref<!tpu.dma_semaphore, #tpu.memory_space<semaphore_mem>>) src(%arg10 : memref<80x16xf32, #tpu.memory_space<vmem>>) dst(%dma_wait3A_180 : memref<10240x16xf32, #tpu.memory_space<vmem_shared>>)
        tpu.yield
      }) : () -> ()
      %add3A_95 = arith.constant 0 : i32
      %add3A_96 = arith.addi %mul3A_84, %add3A_95 : i32
      %add3A_97 = arith.constant 4 : i32
      %add3A_98 = arith.addi %add3A_96, %add3A_97 : i32
      %lt3A = arith.constant 125 : i32
      %lt3A_99 = arith.cmpi slt, %add3A_98, %lt3A : i32
      %add3A_100 = arith.constant 0 : i32
      %add3A_101 = arith.addi %mul3A_84, %add3A_100 : i32
      %add3A_102 = arith.constant 4 : i32
      %add3A_103 = arith.addi %add3A_101, %add3A_102 : i32
      %convert_element_type3A = arith.extui %lt3A_99 : i1 to i32
      %cond3A = arith.constant 0 : i32
      %cond3A_104 = arith.cmpi ne, %convert_element_type3A, %cond3A : i32
      scf.if %cond3A_104 {
        %mul3A_175 = arith.constant 80 : i32
        %mul3A_176 = arith.muli %add3A_103, %mul3A_175 : i32
        %add3A_177 = arith.addi %mul3A_2, %mul3A_176 : i32
        %dma_start3A_178 = tpu.memref_slice %arg3[%add3A_177] : memref<320000xi32, #tpu.memory_space<hbm>> -> memref<80xi32, #tpu.memory_space<hbm>>
        %dma_start3A_179 = tpu.memref_slice %arg3[%add3A_177] : memref<320000xi32, #tpu.memory_space<hbm>> -> memref<80xi32, #tpu.memory_space<hbm>>
        tpu.enqueue_dma source(%dma_start3A_179 : memref<80xi32, #tpu.memory_space<hbm>>) target(%arg6 : memref<80xi32, #tpu.memory_space<vmem>>) target_semaphore(%arg15 : memref<!tpu.dma_semaphore, #tpu.memory_space<semaphore_mem>>)
        %mul3A_180 = arith.constant 80 : i32
        %mul3A_181 = arith.muli %add3A_103, %mul3A_180 : i32
        %add3A_182 = arith.addi %mul3A_2, %mul3A_181 : i32
        %dma_start3A_183 = arith.constant 0 : i32
        %dma_start3A_184 = tpu.memref_slice %arg2[%add3A_182, %dma_start3A_183] : memref<320000x16xf32, #tpu.memory_space<hbm>> -> memref<80x16xf32, #tpu.memory_space<hbm>>
        %dma_start3A_185 = arith.constant 0 : i32
        %dma_start3A_186 = tpu.memref_slice %arg2[%add3A_182, %dma_start3A_185] : memref<320000x16xf32, #tpu.memory_space<hbm>> -> memref<80x16xf32, #tpu.memory_space<hbm>>
        tpu.enqueue_dma source(%dma_start3A_186 : memref<80x16xf32, #tpu.memory_space<hbm>>) target(%arg10 : memref<80x16xf32, #tpu.memory_space<vmem>>) target_semaphore(%arg19 : memref<!tpu.dma_semaphore, #tpu.memory_space<semaphore_mem>>)
      } else {
      }
      %dma_wait3A_105 = arith.constant 0 : i32
      %dma_wait3A_106 = arith.constant 0 : i32
      %dma_wait3A_107 = tpu.memref_slice %arg2[%dma_wait3A_105, %dma_wait3A_106] : memref<320000x16xf32, #tpu.memory_space<hbm>> -> memref<80x16xf32, #tpu.memory_space<hbm>>
      %dma_wait3A_108 = arith.constant 0 : i32
      %dma_wait3A_109 = arith.constant 0 : i32
      %dma_wait3A_110 = tpu.memref_slice %arg2[%dma_wait3A_108, %dma_wait3A_109] : memref<320000x16xf32, #tpu.memory_space<hbm>> -> memref<80x16xf32, #tpu.memory_space<hbm>>
      tpu.wait_dma2 semaphore(%arg20 : memref<!tpu.dma_semaphore, #tpu.memory_space<semaphore_mem>>) src(%dma_wait3A_110 : memref<80x16xf32, #tpu.memory_space<hbm>>) dst(%arg11 : memref<80x16xf32, #tpu.memory_space<vmem>>)
      %dma_wait3A_111 = arith.constant 0 : i32
      %dma_wait3A_112 = tpu.memref_slice %arg3[%dma_wait3A_111] : memref<320000xi32, #tpu.memory_space<hbm>> -> memref<80xi32, #tpu.memory_space<hbm>>
      %dma_wait3A_113 = arith.constant 0 : i32
      %dma_wait3A_114 = tpu.memref_slice %arg3[%dma_wait3A_113] : memref<320000xi32, #tpu.memory_space<hbm>> -> memref<80xi32, #tpu.memory_space<hbm>>
      tpu.wait_dma2 semaphore(%arg16 : memref<!tpu.dma_semaphore, #tpu.memory_space<semaphore_mem>>) src(%dma_wait3A_114 : memref<80xi32, #tpu.memory_space<hbm>>) dst(%arg7 : memref<80xi32, #tpu.memory_space<vmem>>)
      "tpu.region"() ({
        %run_scoped3A = tpu.sem_alloc : memref<!tpu.dma_semaphore, #tpu.memory_space<semaphore_mem>>
        %dma_start3A_175 = arith.constant 0 : i32
        %dma_start3A_176 = arith.constant 0 : i32
        %dma_start3A_177 = tpu.memref_slice %arg14[%dma_start3A_175, %dma_start3A_176] : memref<10240x16xf32, #tpu.memory_space<vmem_shared>> -> memref<10240x16xf32, #tpu.memory_space<vmem_shared>>
        tpu.enqueue_indirect_dma source(%arg11 : memref<80x16xf32, #tpu.memory_space<vmem>>) target(%dma_start3A_177 : memref<10240x16xf32, #tpu.memory_space<vmem_shared>>) offsets(%arg7 : memref<80xi32, #tpu.memory_space<vmem>>) semaphore(%run_scoped3A : memref<!tpu.dma_semaphore, #tpu.memory_space<semaphore_mem>>) {add = true}
        %dma_wait3A_178 = arith.constant 0 : i32
        %dma_wait3A_179 = arith.constant 0 : i32
        %dma_wait3A_180 = tpu.memref_slice %arg14[%dma_wait3A_178, %dma_wait3A_179] : memref<10240x16xf32, #tpu.memory_space<vmem_shared>> -> memref<10240x16xf32, #tpu.memory_space<vmem_shared>>
        tpu.wait_indirect_dma semaphore(%run_scoped3A : memref<!tpu.dma_semaphore, #tpu.memory_space<semaphore_mem>>) src(%arg11 : memref<80x16xf32, #tpu.memory_space<vmem>>) dst(%dma_wait3A_180 : memref<10240x16xf32, #tpu.memory_space<vmem_shared>>)
        tpu.yield
      }) : () -> ()
      %add3A_115 = arith.constant 1 : i32
      %add3A_116 = arith.addi %mul3A_84, %add3A_115 : i32
      %add3A_117 = arith.constant 4 : i32
      %add3A_118 = arith.addi %add3A_116, %add3A_117 : i32
      %lt3A_119 = arith.constant 125 : i32
      %lt3A_120 = arith.cmpi slt, %add3A_118, %lt3A_119 : i32
      %add3A_121 = arith.constant 1 : i32
      %add3A_122 = arith.addi %mul3A_84, %add3A_121 : i32
      %add3A_123 = arith.constant 4 : i32
      %add3A_124 = arith.addi %add3A_122, %add3A_123 : i32
      %convert_element_type3A_125 = arith.extui %lt3A_120 : i1 to i32
      %cond3A_126 = arith.constant 0 : i32
      %cond3A_127 = arith.cmpi ne, %convert_element_type3A_125, %cond3A_126 : i32
      scf.if %cond3A_127 {
        %mul3A_175 = arith.constant 80 : i32
        %mul3A_176 = arith.muli %add3A_124, %mul3A_175 : i32
        %add3A_177 = arith.addi %mul3A_2, %mul3A_176 : i32
        %dma_start3A_178 = tpu.memref_slice %arg3[%add3A_177] : memref<320000xi32, #tpu.memory_space<hbm>> -> memref<80xi32, #tpu.memory_space<hbm>>
        %dma_start3A_179 = tpu.memref_slice %arg3[%add3A_177] : memref<320000xi32, #tpu.memory_space<hbm>> -> memref<80xi32, #tpu.memory_space<hbm>>
        tpu.enqueue_dma source(%dma_start3A_179 : memref<80xi32, #tpu.memory_space<hbm>>) target(%arg7 : memref<80xi32, #tpu.memory_space<vmem>>) target_semaphore(%arg16 : memref<!tpu.dma_semaphore, #tpu.memory_space<semaphore_mem>>)
        %mul3A_180 = arith.constant 80 : i32
        %mul3A_181 = arith.muli %add3A_124, %mul3A_180 : i32
        %add3A_182 = arith.addi %mul3A_2, %mul3A_181 : i32
        %dma_start3A_183 = arith.constant 0 : i32
        %dma_start3A_184 = tpu.memref_slice %arg2[%add3A_182, %dma_start3A_183] : memref<320000x16xf32, #tpu.memory_space<hbm>> -> memref<80x16xf32, #tpu.memory_space<hbm>>
        %dma_start3A_185 = arith.constant 0 : i32
        %dma_start3A_186 = tpu.memref_slice %arg2[%add3A_182, %dma_start3A_185] : memref<320000x16xf32, #tpu.memory_space<hbm>> -> memref<80x16xf32, #tpu.memory_space<hbm>>
        tpu.enqueue_dma source(%dma_start3A_186 : memref<80x16xf32, #tpu.memory_space<hbm>>) target(%arg11 : memref<80x16xf32, #tpu.memory_space<vmem>>) target_semaphore(%arg20 : memref<!tpu.dma_semaphore, #tpu.memory_space<semaphore_mem>>)
      } else {
      }
      %dma_wait3A_128 = arith.constant 0 : i32
      %dma_wait3A_129 = arith.constant 0 : i32
      %dma_wait3A_130 = tpu.memref_slice %arg2[%dma_wait3A_128, %dma_wait3A_129] : memref<320000x16xf32, #tpu.memory_space<hbm>> -> memref<80x16xf32, #tpu.memory_space<hbm>>
      %dma_wait3A_131 = arith.constant 0 : i32
      %dma_wait3A_132 = arith.constant 0 : i32
      %dma_wait3A_133 = tpu.memref_slice %arg2[%dma_wait3A_131, %dma_wait3A_132] : memref<320000x16xf32, #tpu.memory_space<hbm>> -> memref<80x16xf32, #tpu.memory_space<hbm>>
      tpu.wait_dma2 semaphore(%arg21 : memref<!tpu.dma_semaphore, #tpu.memory_space<semaphore_mem>>) src(%dma_wait3A_133 : memref<80x16xf32, #tpu.memory_space<hbm>>) dst(%arg12 : memref<80x16xf32, #tpu.memory_space<vmem>>)
      %dma_wait3A_134 = arith.constant 0 : i32
      %dma_wait3A_135 = tpu.memref_slice %arg3[%dma_wait3A_134] : memref<320000xi32, #tpu.memory_space<hbm>> -> memref<80xi32, #tpu.memory_space<hbm>>
      %dma_wait3A_136 = arith.constant 0 : i32
      %dma_wait3A_137 = tpu.memref_slice %arg3[%dma_wait3A_136] : memref<320000xi32, #tpu.memory_space<hbm>> -> memref<80xi32, #tpu.memory_space<hbm>>
      tpu.wait_dma2 semaphore(%arg17 : memref<!tpu.dma_semaphore, #tpu.memory_space<semaphore_mem>>) src(%dma_wait3A_137 : memref<80xi32, #tpu.memory_space<hbm>>) dst(%arg8 : memref<80xi32, #tpu.memory_space<vmem>>)
      "tpu.region"() ({
        %run_scoped3A = tpu.sem_alloc : memref<!tpu.dma_semaphore, #tpu.memory_space<semaphore_mem>>
        %dma_start3A_175 = arith.constant 0 : i32
        %dma_start3A_176 = arith.constant 0 : i32
        %dma_start3A_177 = tpu.memref_slice %arg14[%dma_start3A_175, %dma_start3A_176] : memref<10240x16xf32, #tpu.memory_space<vmem_shared>> -> memref<10240x16xf32, #tpu.memory_space<vmem_shared>>
        tpu.enqueue_indirect_dma source(%arg12 : memref<80x16xf32, #tpu.memory_space<vmem>>) target(%dma_start3A_177 : memref<10240x16xf32, #tpu.memory_space<vmem_shared>>) offsets(%arg8 : memref<80xi32, #tpu.memory_space<vmem>>) semaphore(%run_scoped3A : memref<!tpu.dma_semaphore, #tpu.memory_space<semaphore_mem>>) {add = true}
        %dma_wait3A_178 = arith.constant 0 : i32
        %dma_wait3A_179 = arith.constant 0 : i32
        %dma_wait3A_180 = tpu.memref_slice %arg14[%dma_wait3A_178, %dma_wait3A_179] : memref<10240x16xf32, #tpu.memory_space<vmem_shared>> -> memref<10240x16xf32, #tpu.memory_space<vmem_shared>>
        tpu.wait_indirect_dma semaphore(%run_scoped3A : memref<!tpu.dma_semaphore, #tpu.memory_space<semaphore_mem>>) src(%arg12 : memref<80x16xf32, #tpu.memory_space<vmem>>) dst(%dma_wait3A_180 : memref<10240x16xf32, #tpu.memory_space<vmem_shared>>)
        tpu.yield
      }) : () -> ()
      %add3A_138 = arith.constant 2 : i32
      %add3A_139 = arith.addi %mul3A_84, %add3A_138 : i32
      %add3A_140 = arith.constant 4 : i32
      %add3A_141 = arith.addi %add3A_139, %add3A_140 : i32
      %lt3A_142 = arith.constant 125 : i32
      %lt3A_143 = arith.cmpi slt, %add3A_141, %lt3A_142 : i32
      %add3A_144 = arith.constant 2 : i32
      %add3A_145 = arith.addi %mul3A_84, %add3A_144 : i32
      %add3A_146 = arith.constant 4 : i32
      %add3A_147 = arith.addi %add3A_145, %add3A_146 : i32
      %convert_element_type3A_148 = arith.extui %lt3A_143 : i1 to i32
      %cond3A_149 = arith.constant 0 : i32
      %cond3A_150 = arith.cmpi ne, %convert_element_type3A_148, %cond3A_149 : i32
      scf.if %cond3A_150 {
        %mul3A_175 = arith.constant 80 : i32
        %mul3A_176 = arith.muli %add3A_147, %mul3A_175 : i32
        %add3A_177 = arith.addi %mul3A_2, %mul3A_176 : i32
        %dma_start3A_178 = tpu.memref_slice %arg3[%add3A_177] : memref<320000xi32, #tpu.memory_space<hbm>> -> memref<80xi32, #tpu.memory_space<hbm>>
        %dma_start3A_179 = tpu.memref_slice %arg3[%add3A_177] : memref<320000xi32, #tpu.memory_space<hbm>> -> memref<80xi32, #tpu.memory_space<hbm>>
        tpu.enqueue_dma source(%dma_start3A_179 : memref<80xi32, #tpu.memory_space<hbm>>) target(%arg8 : memref<80xi32, #tpu.memory_space<vmem>>) target_semaphore(%arg17 : memref<!tpu.dma_semaphore, #tpu.memory_space<semaphore_mem>>)
        %mul3A_180 = arith.constant 80 : i32
        %mul3A_181 = arith.muli %add3A_147, %mul3A_180 : i32
        %add3A_182 = arith.addi %mul3A_2, %mul3A_181 : i32
        %dma_start3A_183 = arith.constant 0 : i32
        %dma_start3A_184 = tpu.memref_slice %arg2[%add3A_182, %dma_start3A_183] : memref<320000x16xf32, #tpu.memory_space<hbm>> -> memref<80x16xf32, #tpu.memory_space<hbm>>
        %dma_start3A_185 = arith.constant 0 : i32
        %dma_start3A_186 = tpu.memref_slice %arg2[%add3A_182, %dma_start3A_185] : memref<320000x16xf32, #tpu.memory_space<hbm>> -> memref<80x16xf32, #tpu.memory_space<hbm>>
        tpu.enqueue_dma source(%dma_start3A_186 : memref<80x16xf32, #tpu.memory_space<hbm>>) target(%arg12 : memref<80x16xf32, #tpu.memory_space<vmem>>) target_semaphore(%arg21 : memref<!tpu.dma_semaphore, #tpu.memory_space<semaphore_mem>>)
      } else {
      }
      %dma_wait3A_151 = arith.constant 0 : i32
      %dma_wait3A_152 = arith.constant 0 : i32
      %dma_wait3A_153 = tpu.memref_slice %arg2[%dma_wait3A_151, %dma_wait3A_152] : memref<320000x16xf32, #tpu.memory_space<hbm>> -> memref<80x16xf32, #tpu.memory_space<hbm>>
      %dma_wait3A_154 = arith.constant 0 : i32
      %dma_wait3A_155 = arith.constant 0 : i32
      %dma_wait3A_156 = tpu.memref_slice %arg2[%dma_wait3A_154, %dma_wait3A_155] : memref<320000x16xf32, #tpu.memory_space<hbm>> -> memref<80x16xf32, #tpu.memory_space<hbm>>
      tpu.wait_dma2 semaphore(%arg22 : memref<!tpu.dma_semaphore, #tpu.memory_space<semaphore_mem>>) src(%dma_wait3A_156 : memref<80x16xf32, #tpu.memory_space<hbm>>) dst(%arg13 : memref<80x16xf32, #tpu.memory_space<vmem>>)
      %dma_wait3A_157 = arith.constant 0 : i32
      %dma_wait3A_158 = tpu.memref_slice %arg3[%dma_wait3A_157] : memref<320000xi32, #tpu.memory_space<hbm>> -> memref<80xi32, #tpu.memory_space<hbm>>
      %dma_wait3A_159 = arith.constant 0 : i32
      %dma_wait3A_160 = tpu.memref_slice %arg3[%dma_wait3A_159] : memref<320000xi32, #tpu.memory_space<hbm>> -> memref<80xi32, #tpu.memory_space<hbm>>
      tpu.wait_dma2 semaphore(%arg18 : memref<!tpu.dma_semaphore, #tpu.memory_space<semaphore_mem>>) src(%dma_wait3A_160 : memref<80xi32, #tpu.memory_space<hbm>>) dst(%arg9 : memref<80xi32, #tpu.memory_space<vmem>>)
      "tpu.region"() ({
        %run_scoped3A = tpu.sem_alloc : memref<!tpu.dma_semaphore, #tpu.memory_space<semaphore_mem>>
        %dma_start3A_175 = arith.constant 0 : i32
        %dma_start3A_176 = arith.constant 0 : i32
        %dma_start3A_177 = tpu.memref_slice %arg14[%dma_start3A_175, %dma_start3A_176] : memref<10240x16xf32, #tpu.memory_space<vmem_shared>> -> memref<10240x16xf32, #tpu.memory_space<vmem_shared>>
        tpu.enqueue_indirect_dma source(%arg13 : memref<80x16xf32, #tpu.memory_space<vmem>>) target(%dma_start3A_177 : memref<10240x16xf32, #tpu.memory_space<vmem_shared>>) offsets(%arg9 : memref<80xi32, #tpu.memory_space<vmem>>) semaphore(%run_scoped3A : memref<!tpu.dma_semaphore, #tpu.memory_space<semaphore_mem>>) {add = true}
        %dma_wait3A_178 = arith.constant 0 : i32
        %dma_wait3A_179 = arith.constant 0 : i32
        %dma_wait3A_180 = tpu.memref_slice %arg14[%dma_wait3A_178, %dma_wait3A_179] : memref<10240x16xf32, #tpu.memory_space<vmem_shared>> -> memref<10240x16xf32, #tpu.memory_space<vmem_shared>>
        tpu.wait_indirect_dma semaphore(%run_scoped3A : memref<!tpu.dma_semaphore, #tpu.memory_space<semaphore_mem>>) src(%arg13 : memref<80x16xf32, #tpu.memory_space<vmem>>) dst(%dma_wait3A_180 : memref<10240x16xf32, #tpu.memory_space<vmem_shared>>)
        tpu.yield
      }) : () -> ()
      %add3A_161 = arith.constant 3 : i32
      %add3A_162 = arith.addi %mul3A_84, %add3A_161 : i32
      %add3A_163 = arith.constant 4 : i32
      %add3A_164 = arith.addi %add3A_162, %add3A_163 : i32
      %lt3A_165 = arith.constant 125 : i32
      %lt3A_166 = arith.cmpi slt, %add3A_164, %lt3A_165 : i32
      %add3A_167 = arith.constant 3 : i32
      %add3A_168 = arith.addi %mul3A_84, %add3A_167 : i32
      %add3A_169 = arith.constant 4 : i32
      %add3A_170 = arith.addi %add3A_168, %add3A_169 : i32
      %convert_element_type3A_171 = arith.extui %lt3A_166 : i1 to i32
      %cond3A_172 = arith.constant 0 : i32
      %cond3A_173 = arith.cmpi ne, %convert_element_type3A_171, %cond3A_172 : i32
      scf.if %cond3A_173 {
        %mul3A_175 = arith.constant 80 : i32
        %mul3A_176 = arith.muli %add3A_170, %mul3A_175 : i32
        %add3A_177 = arith.addi %mul3A_2, %mul3A_176 : i32
        %dma_start3A_178 = tpu.memref_slice %arg3[%add3A_177] : memref<320000xi32, #tpu.memory_space<hbm>> -> memref<80xi32, #tpu.memory_space<hbm>>
        %dma_start3A_179 = tpu.memref_slice %arg3[%add3A_177] : memref<320000xi32, #tpu.memory_space<hbm>> -> memref<80xi32, #tpu.memory_space<hbm>>
        tpu.enqueue_dma source(%dma_start3A_179 : memref<80xi32, #tpu.memory_space<hbm>>) target(%arg9 : memref<80xi32, #tpu.memory_space<vmem>>) target_semaphore(%arg18 : memref<!tpu.dma_semaphore, #tpu.memory_space<semaphore_mem>>)
        %mul3A_180 = arith.constant 80 : i32
        %mul3A_181 = arith.muli %add3A_170, %mul3A_180 : i32
        %add3A_182 = arith.addi %mul3A_2, %mul3A_181 : i32
        %dma_start3A_183 = arith.constant 0 : i32
        %dma_start3A_184 = tpu.memref_slice %arg2[%add3A_182, %dma_start3A_183] : memref<320000x16xf32, #tpu.memory_space<hbm>> -> memref<80x16xf32, #tpu.memory_space<hbm>>
        %dma_start3A_185 = arith.constant 0 : i32
        %dma_start3A_186 = tpu.memref_slice %arg2[%add3A_182, %dma_start3A_185] : memref<320000x16xf32, #tpu.memory_space<hbm>> -> memref<80x16xf32, #tpu.memory_space<hbm>>
        tpu.enqueue_dma source(%dma_start3A_186 : memref<80x16xf32, #tpu.memory_space<hbm>>) target(%arg13 : memref<80x16xf32, #tpu.memory_space<vmem>>) target_semaphore(%arg22 : memref<!tpu.dma_semaphore, #tpu.memory_space<semaphore_mem>>)
      } else {
      }
      %scan3A_174 = arith.constant 0 : i32
      scf.yield %scan3A_174 : i32
    }
    %scan3A_63 = arith.constant 31 : i32
    %dma_wait3A = arith.constant 0 : i32
    %dma_wait3A_64 = arith.constant 0 : i32
    %dma_wait3A_65 = tpu.memref_slice %arg2[%dma_wait3A, %dma_wait3A_64] : memref<320000x16xf32, #tpu.memory_space<hbm>> -> memref<80x16xf32, #tpu.memory_space<hbm>>
    %dma_wait3A_66 = arith.constant 0 : i32
    %dma_wait3A_67 = arith.constant 0 : i32
    %dma_wait3A_68 = tpu.memref_slice %arg2[%dma_wait3A_66, %dma_wait3A_67] : memref<320000x16xf32, #tpu.memory_space<hbm>> -> memref<80x16xf32, #tpu.memory_space<hbm>>
    tpu.wait_dma2 semaphore(%arg19 : memref<!tpu.dma_semaphore, #tpu.memory_space<semaphore_mem>>) src(%dma_wait3A_68 : memref<80x16xf32, #tpu.memory_space<hbm>>) dst(%arg10 : memref<80x16xf32, #tpu.memory_space<vmem>>)
    %dma_wait3A_69 = arith.constant 0 : i32
    %dma_wait3A_70 = tpu.memref_slice %arg3[%dma_wait3A_69] : memref<320000xi32, #tpu.memory_space<hbm>> -> memref<80xi32, #tpu.memory_space<hbm>>
    %dma_wait3A_71 = arith.constant 0 : i32
    %dma_wait3A_72 = tpu.memref_slice %arg3[%dma_wait3A_71] : memref<320000xi32, #tpu.memory_space<hbm>> -> memref<80xi32, #tpu.memory_space<hbm>>
    tpu.wait_dma2 semaphore(%arg15 : memref<!tpu.dma_semaphore, #tpu.memory_space<semaphore_mem>>) src(%dma_wait3A_72 : memref<80xi32, #tpu.memory_space<hbm>>) dst(%arg6 : memref<80xi32, #tpu.memory_space<vmem>>)
    "tpu.region"() ({
      %run_scoped3A = tpu.sem_alloc : memref<!tpu.dma_semaphore, #tpu.memory_space<semaphore_mem>>
      %dma_start3A_81 = arith.constant 0 : i32
      %dma_start3A_82 = arith.constant 0 : i32
      %dma_start3A_83 = tpu.memref_slice %arg14[%dma_start3A_81, %dma_start3A_82] : memref<10240x16xf32, #tpu.memory_space<vmem_shared>> -> memref<10240x16xf32, #tpu.memory_space<vmem_shared>>
      tpu.enqueue_indirect_dma source(%arg10 : memref<80x16xf32, #tpu.memory_space<vmem>>) target(%dma_start3A_83 : memref<10240x16xf32, #tpu.memory_space<vmem_shared>>) offsets(%arg6 : memref<80xi32, #tpu.memory_space<vmem>>) semaphore(%run_scoped3A : memref<!tpu.dma_semaphore, #tpu.memory_space<semaphore_mem>>) {add = true}
      %dma_wait3A_84 = arith.constant 0 : i32
      %dma_wait3A_85 = arith.constant 0 : i32
      %dma_wait3A_86 = tpu.memref_slice %arg14[%dma_wait3A_84, %dma_wait3A_85] : memref<10240x16xf32, #tpu.memory_space<vmem_shared>> -> memref<10240x16xf32, #tpu.memory_space<vmem_shared>>
      tpu.wait_indirect_dma semaphore(%run_scoped3A : memref<!tpu.dma_semaphore, #tpu.memory_space<semaphore_mem>>) src(%arg10 : memref<80x16xf32, #tpu.memory_space<vmem>>) dst(%dma_wait3A_86 : memref<10240x16xf32, #tpu.memory_space<vmem_shared>>)
      tpu.yield
    }) : () -> ()
    %barrier3A_73 = arith.constant 0 : index
    tpu.barrier barrier_id(%barrier3A_73)
    %scan3A_74 = arith.constant 0 : i32
    %scan3A_75 = arith.constant 0 : i32
    %scan3A_76 = arith.constant 8 : i32
    %scan3A_77 = arith.addi %scan3A_75, %scan3A_76 : i32
    %scan3A_78 = arith.constant 1 : i32
    %scan3A_79 = scf.for %scan3A_81 = %scan3A_75 to %scan3A_77 step %scan3A_78 iter_args(%scan3A_82 = %scan3A_74) -> (i32)  : i32 {
      %mul3A_83 = arith.constant 80 : i32
      %mul3A_84 = arith.muli %scan3A_81, %mul3A_83 : i32
      %add3A_85 = arith.addi %mul3A_4, %mul3A_84 : i32
      "tpu.region"() ({
        %run_scoped3A = tpu.sem_alloc : memref<!tpu.dma_semaphore, #tpu.memory_space<semaphore_mem>>
        %dma_start3A_87 = arith.constant 0 : i32
        %dma_start3A_88 = tpu.memref_slice %arg14[%add3A_85, %dma_start3A_87] : memref<10240x16xf32, #tpu.memory_space<vmem_shared>> -> memref<80x16xf32, #tpu.memory_space<vmem_shared>>
        %dma_start3A_89 = arith.constant 0 : i32
        %dma_start3A_90 = tpu.memref_slice %arg14[%add3A_85, %dma_start3A_89] : memref<10240x16xf32, #tpu.memory_space<vmem_shared>> -> memref<80x16xf32, #tpu.memory_space<vmem_shared>>
        tpu.enqueue_dma source(%dma_start3A_90 : memref<80x16xf32, #tpu.memory_space<vmem_shared>>) target(%arg10 : memref<80x16xf32, #tpu.memory_space<vmem>>) target_semaphore(%run_scoped3A : memref<!tpu.dma_semaphore, #tpu.memory_space<semaphore_mem>>)
        %dma_wait3A_91 = arith.constant 0 : i32
        %dma_wait3A_92 = tpu.memref_slice %arg14[%add3A_85, %dma_wait3A_91] : memref<10240x16xf32, #tpu.memory_space<vmem_shared>> -> memref<80x16xf32, #tpu.memory_space<vmem_shared>>
        %dma_wait3A_93 = arith.constant 0 : i32
        %dma_wait3A_94 = tpu.memref_slice %arg14[%add3A_85, %dma_wait3A_93] : memref<10240x16xf32, #tpu.memory_space<vmem_shared>> -> memref<80x16xf32, #tpu.memory_space<vmem_shared>>
        tpu.wait_dma2 semaphore(%run_scoped3A : memref<!tpu.dma_semaphore, #tpu.memory_space<semaphore_mem>>) src(%dma_wait3A_94 : memref<80x16xf32, #tpu.memory_space<vmem_shared>>) dst(%arg10 : memref<80x16xf32, #tpu.memory_space<vmem>>)
        tpu.yield
      }) : () -> ()
      "tpu.region"() ({
        %run_scoped3A = tpu.sem_alloc : memref<!tpu.dma_semaphore, #tpu.memory_space<semaphore_mem>>
        %dma_start3A_87 = arith.constant 0 : i32
        %dma_start3A_88 = tpu.memref_slice %arg5[%arg0, %add3A_85, %dma_start3A_87] : memref<2x10240x16xf32, #tpu.memory_space<hbm>> -> memref<1x80x16xf32, #tpu.memory_space<hbm>>
        %dma_start3A_89 = tpu.memref_squeeze %dma_start3A_88 : memref<1x80x16xf32, #tpu.memory_space<hbm>> -> memref<80x16xf32, #tpu.memory_space<hbm>>
        %dma_start3A_90 = arith.constant 0 : i32
        %dma_start3A_91 = tpu.memref_slice %arg5[%arg0, %add3A_85, %dma_start3A_90] : memref<2x10240x16xf32, #tpu.memory_space<hbm>> -> memref<1x80x16xf32, #tpu.memory_space<hbm>>
        %dma_start3A_92 = tpu.memref_squeeze %dma_start3A_91 : memref<1x80x16xf32, #tpu.memory_space<hbm>> -> memref<80x16xf32, #tpu.memory_space<hbm>>
        tpu.enqueue_dma source(%arg10 : memref<80x16xf32, #tpu.memory_space<vmem>>) target(%dma_start3A_92 : memref<80x16xf32, #tpu.memory_space<hbm>>) target_semaphore(%run_scoped3A : memref<!tpu.dma_semaphore, #tpu.memory_space<semaphore_mem>>)
        %dma_wait3A_93 = arith.constant 0 : i32
        %dma_wait3A_94 = tpu.memref_slice %arg5[%arg0, %add3A_85, %dma_wait3A_93] : memref<2x10240x16xf32, #tpu.memory_space<hbm>> -> memref<1x80x16xf32, #tpu.memory_space<hbm>>
        %dma_wait3A_95 = tpu.memref_squeeze %dma_wait3A_94 : memref<1x80x16xf32, #tpu.memory_space<hbm>> -> memref<80x16xf32, #tpu.memory_space<hbm>>
        %dma_wait3A_96 = arith.constant 0 : i32
        %dma_wait3A_97 = tpu.memref_slice %arg5[%arg0, %add3A_85, %dma_wait3A_96] : memref<2x10240x16xf32, #tpu.memory_space<hbm>> -> memref<1x80x16xf32, #tpu.memory_space<hbm>>
        %dma_wait3A_98 = tpu.memref_squeeze %dma_wait3A_97 : memref<1x80x16xf32, #tpu.memory_space<hbm>> -> memref<80x16xf32, #tpu.memory_space<hbm>>
        tpu.wait_dma2 semaphore(%run_scoped3A : memref<!tpu.dma_semaphore, #tpu.memory_space<semaphore_mem>>) src(%arg10 : memref<80x16xf32, #tpu.memory_space<vmem>>) dst(%dma_wait3A_98 : memref<80x16xf32, #tpu.memory_space<hbm>>)
        tpu.yield
      }) : () -> ()
      %scan3A_86 = arith.constant 0 : i32
      scf.yield %scan3A_86 : i32
    }
    %scan3A_80 = arith.constant 8 : i32
    return
  }
}

#map = affine_map<(d0, d1) -> (0, 0)>
#map1 = affine_map<(d0, d1) -> (0)>
#map2 = affine_map<(d0, d1) -> (0, 0, 0)>
module attributes {stable_mosaic.version = 14 : i64} {
  func.func @_sca_body(%arg0: i32, %arg1: i32, %arg2: memref<10000x128xf32, #tpu.memory_space<hbm>>, %arg3: memref<320000xi32, #tpu.memory_space<hbm>>, %arg4: memref<320000xi32, #tpu.memory_space<hbm>>, %arg5: memref<2x10240x128xf32, #tpu.memory_space<hbm>>, %arg6: memref<10000xi32, #tpu.memory_space<vmem>>, %arg7: memref<80xi32, #tpu.memory_space<vmem>>, %arg8: memref<80xi32, #tpu.memory_space<vmem>>, %arg9: memref<80xi32, #tpu.memory_space<vmem>>, %arg10: memref<80x128xf32, #tpu.memory_space<vmem>>, %arg11: memref<80x128xf32, #tpu.memory_space<vmem>>, %arg12: memref<80x128xf32, #tpu.memory_space<vmem>>, %arg13: memref<10240x128xf32, #tpu.memory_space<vmem_shared>>, %arg14: memref<!tpu.dma_semaphore, #tpu.memory_space<semaphore_mem>>, %arg15: memref<!tpu.dma_semaphore, #tpu.memory_space<semaphore_mem>>, %arg16: memref<!tpu.dma_semaphore, #tpu.memory_space<semaphore_mem>>, %arg17: memref<!tpu.dma_semaphore, #tpu.memory_space<semaphore_mem>>, %arg18: memref<!tpu.dma_semaphore, #tpu.memory_space<semaphore_mem>>, %arg19: memref<!tpu.dma_semaphore, #tpu.memory_space<semaphore_mem>>) attributes {dimension_semantics = [#tpu.dimension_semantics<core_parallel>, #tpu.dimension_semantics<subcore_parallel>], iteration_bounds = array<i64: 2, 16>, scalar_prefetch = 0 : i64, scratch_operands = 14 : i64, tpu.core_type = #tpu.core_type<sc_vector_subcore>, window_params = [{transform_indices = #map}, {transform_indices = #map1}, {transform_indices = #map1}, {transform_indices = #map2}]} {
    %mul3A = arith.constant 16 : i32
    %mul3A_0 = arith.muli %arg0, %mul3A : i32
    %add3A = arith.addi %mul3A_0, %arg1 : i32
    %mul3A_1 = arith.constant 10000 : i32
    %mul3A_2 = arith.muli %add3A, %mul3A_1 : i32
    %mul3A_3 = arith.constant 640 : i32
    %mul3A_4 = arith.muli %arg1, %mul3A_3 : i32
    %scan3A = arith.constant 0 : i32
    %scan3A_5 = arith.constant 0 : i32
    %scan3A_6 = arith.constant 640 : i32
    %scan3A_7 = arith.addi %scan3A_5, %scan3A_6 : i32
    %scan3A_8 = arith.constant 1 : i32
    %scan3A_9 = scf.for %scan3A_78 = %scan3A_5 to %scan3A_7 step %scan3A_8 iter_args(%scan3A_79 = %scan3A) -> (i32)  : i32 {
      %broadcast_in_dim3A = arith.constant 0.000000e+00 : f32
      %broadcast_in_dim3A_80 = vector.broadcast %broadcast_in_dim3A : f32 to vector<16xf32>
      %jit3A = arith.constant 8 : i32
      %div3A = arith.divsi %scan3A_78, %jit3A : i32
      %sign3A = arith.constant 0 : i32
      %sign3A_81 = arith.cmpi sgt, %scan3A_78, %sign3A : i32
      %sign3A_82 = arith.extui %sign3A_81 : i1 to i32
      %sign3A_83 = arith.constant 0 : i32
      %sign3A_84 = arith.cmpi slt, %scan3A_78, %sign3A_83 : i32
      %sign3A_85 = arith.extui %sign3A_84 : i1 to i32
      %sign3A_86 = arith.subi %sign3A_82, %sign3A_85 : i32
      %sign3A_87 = arith.constant 0 : i32
      %sign3A_88 = arith.cmpi sgt, %jit3A, %sign3A_87 : i32
      %sign3A_89 = arith.extui %sign3A_88 : i1 to i32
      %sign3A_90 = arith.constant 0 : i32
      %sign3A_91 = arith.cmpi slt, %jit3A, %sign3A_90 : i32
      %sign3A_92 = arith.extui %sign3A_91 : i1 to i32
      %sign3A_93 = arith.subi %sign3A_89, %sign3A_92 : i32
      %ne3A = arith.cmpi ne, %sign3A_86, %sign3A_93 : i32
      %rem3A = arith.remsi %scan3A_78, %jit3A : i32
      %ne3A_94 = arith.constant 0 : i32
      %ne3A_95 = arith.cmpi ne, %rem3A, %ne3A_94 : i32
      %and3A = arith.andi %ne3A, %ne3A_95 : i1
      %sub3A = arith.constant 1 : i32
      %sub3A_96 = arith.subi %div3A, %sub3A : i32
      %select_n3A = arith.select %and3A, %sub3A_96, %div3A : i32
      %jit3A_97 = arith.constant 8 : i32
      %eq3A = arith.constant 0 : i32
      %eq3A_98 = arith.cmpi eq, %jit3A_97, %eq3A : i32
      %jit3A_99 = arith.constant 1 : i32
      %select_n3A_100 = arith.select %eq3A_98, %jit3A_99, %jit3A_97 : i32
      %rem3A_101 = arith.remsi %scan3A_78, %select_n3A_100 : i32
      %ne3A_102 = arith.constant 0 : i32
      %ne3A_103 = arith.cmpi ne, %rem3A_101, %ne3A_102 : i32
      %lt3A = arith.constant 0 : i32
      %lt3A_104 = arith.cmpi slt, %rem3A_101, %lt3A : i32
      %lt3A_105 = arith.constant 0 : i32
      %lt3A_106 = arith.cmpi slt, %select_n3A_100, %lt3A_105 : i32
      %ne3A_107 = arith.xori %lt3A_104, %lt3A_106 : i1
      %and3A_108 = arith.andi %ne3A_107, %ne3A_103 : i1
      %add3A_109 = arith.addi %rem3A_101, %select_n3A_100 : i32
      %select_n3A_110 = arith.select %and3A_108, %add3A_109, %rem3A_101 : i32
      %mul3A_111 = arith.constant 16 : i32
      %mul3A_112 = arith.muli %select_n3A_110, %mul3A_111 : i32
      %swap3A = arith.index_cast %select_n3A : i32 to index
      %swap3A_113 = arith.index_cast %mul3A_112 : i32 to index
      %swap3A_114 = tpu.vector_load %arg10[%swap3A, %swap3A_113] {strides = array<i32>} : memref<80x128xf32, #tpu.memory_space<vmem>>, vector<1x16xf32>,
      %swap3A_115 = vector.shape_cast %swap3A_114 : vector<1x16xf32> to vector<16xf32>
      %swap3A_116 = vector.shape_cast %broadcast_in_dim3A_80 : vector<16xf32> to vector<1x16xf32>
      tpu.vector_store %arg10[%swap3A, %swap3A_113], %swap3A_116 {strides = array<i32>} : memref<80x128xf32, #tpu.memory_space<vmem>>, vector<1x16xf32>,
      %scan3A_117 = arith.constant 0 : i32
      scf.yield %scan3A_117 : i32
    }
    %scan3A_10 = arith.constant 640 : i32
    %scan3A_11 = arith.constant 0 : i32
    %scan3A_12 = arith.constant 0 : i32
    %scan3A_13 = arith.constant 8 : i32
    %scan3A_14 = arith.addi %scan3A_12, %scan3A_13 : i32
    %scan3A_15 = arith.constant 1 : i32
    %scan3A_16 = scf.for %scan3A_78 = %scan3A_12 to %scan3A_14 step %scan3A_15 iter_args(%scan3A_79 = %scan3A_11) -> (i32)  : i32 {
      %mul3A_80 = arith.constant 80 : i32
      %mul3A_81 = arith.muli %scan3A_78, %mul3A_80 : i32
      %add3A_82 = arith.addi %mul3A_4, %mul3A_81 : i32
      "tpu.region"() ({
        %run_scoped3A = tpu.sem_alloc : memref<!tpu.dma_semaphore, #tpu.memory_space<semaphore_mem>>
        %dma_start3A_84 = arith.constant 0 : i32
        %dma_start3A_85 = tpu.memref_slice %arg13[%add3A_82, %dma_start3A_84] : memref<10240x128xf32, #tpu.memory_space<vmem_shared>> -> memref<80x128xf32, #tpu.memory_space<vmem_shared>>
        %dma_start3A_86 = arith.constant 0 : i32
        %dma_start3A_87 = tpu.memref_slice %arg13[%add3A_82, %dma_start3A_86] : memref<10240x128xf32, #tpu.memory_space<vmem_shared>> -> memref<80x128xf32, #tpu.memory_space<vmem_shared>>
        tpu.enqueue_dma source(%arg10 : memref<80x128xf32, #tpu.memory_space<vmem>>) target(%dma_start3A_87 : memref<80x128xf32, #tpu.memory_space<vmem_shared>>) target_semaphore(%run_scoped3A : memref<!tpu.dma_semaphore, #tpu.memory_space<semaphore_mem>>)
        %dma_wait3A_88 = arith.constant 0 : i32
        %dma_wait3A_89 = tpu.memref_slice %arg13[%add3A_82, %dma_wait3A_88] : memref<10240x128xf32, #tpu.memory_space<vmem_shared>> -> memref<80x128xf32, #tpu.memory_space<vmem_shared>>
        %dma_wait3A_90 = arith.constant 0 : i32
        %dma_wait3A_91 = tpu.memref_slice %arg13[%add3A_82, %dma_wait3A_90] : memref<10240x128xf32, #tpu.memory_space<vmem_shared>> -> memref<80x128xf32, #tpu.memory_space<vmem_shared>>
        tpu.wait_dma2 semaphore(%run_scoped3A : memref<!tpu.dma_semaphore, #tpu.memory_space<semaphore_mem>>) src(%arg10 : memref<80x128xf32, #tpu.memory_space<vmem>>) dst(%dma_wait3A_91 : memref<80x128xf32, #tpu.memory_space<vmem_shared>>)
        tpu.yield
      }) : () -> ()
      %scan3A_83 = arith.constant 0 : i32
      scf.yield %scan3A_83 : i32
    }
    %scan3A_17 = arith.constant 8 : i32
    %barrier3A = arith.constant 0 : index
    tpu.barrier barrier_id(%barrier3A)
    "tpu.region"() ({
      %run_scoped3A = tpu.sem_alloc : memref<!tpu.dma_semaphore, #tpu.memory_space<semaphore_mem>>
      %dma_start3A_78 = tpu.memref_slice %arg3[%mul3A_2] : memref<320000xi32, #tpu.memory_space<hbm>> -> memref<10000xi32, #tpu.memory_space<hbm>>
      %dma_start3A_79 = tpu.memref_slice %arg3[%mul3A_2] : memref<320000xi32, #tpu.memory_space<hbm>> -> memref<10000xi32, #tpu.memory_space<hbm>>
      tpu.enqueue_dma source(%dma_start3A_79 : memref<10000xi32, #tpu.memory_space<hbm>>) target(%arg6 : memref<10000xi32, #tpu.memory_space<vmem>>) target_semaphore(%run_scoped3A : memref<!tpu.dma_semaphore, #tpu.memory_space<semaphore_mem>>)
      %dma_wait3A_80 = tpu.memref_slice %arg3[%mul3A_2] : memref<320000xi32, #tpu.memory_space<hbm>> -> memref<10000xi32, #tpu.memory_space<hbm>>
      %dma_wait3A_81 = tpu.memref_slice %arg3[%mul3A_2] : memref<320000xi32, #tpu.memory_space<hbm>> -> memref<10000xi32, #tpu.memory_space<hbm>>
      tpu.wait_dma2 semaphore(%run_scoped3A : memref<!tpu.dma_semaphore, #tpu.memory_space<semaphore_mem>>) src(%dma_wait3A_81 : memref<10000xi32, #tpu.memory_space<hbm>>) dst(%arg6 : memref<10000xi32, #tpu.memory_space<vmem>>)
      tpu.yield
    }) : () -> ()
    %add3A_18 = arith.constant 0 : i32
    %add3A_19 = arith.addi %mul3A_2, %add3A_18 : i32
    %dma_start3A = tpu.memref_slice %arg4[%add3A_19] : memref<320000xi32, #tpu.memory_space<hbm>> -> memref<80xi32, #tpu.memory_space<hbm>>
    %dma_start3A_20 = tpu.memref_slice %arg4[%add3A_19] : memref<320000xi32, #tpu.memory_space<hbm>> -> memref<80xi32, #tpu.memory_space<hbm>>
    tpu.enqueue_dma source(%dma_start3A_20 : memref<80xi32, #tpu.memory_space<hbm>>) target(%arg7 : memref<80xi32, #tpu.memory_space<vmem>>) target_semaphore(%arg14 : memref<!tpu.dma_semaphore, #tpu.memory_space<semaphore_mem>>)
    %dma_start3A_21 = arith.constant 0 : i32
    %dma_start3A_22 = tpu.memref_slice %arg6[%dma_start3A_21] : memref<10000xi32, #tpu.memory_space<vmem>> -> memref<80xi32, #tpu.memory_space<vmem>>
    %dma_start3A_23 = arith.constant 0 : i32
    %dma_start3A_24 = arith.constant 0 : i32
    %dma_start3A_25 = tpu.memref_slice %arg2[%dma_start3A_23, %dma_start3A_24] : memref<10000x128xf32, #tpu.memory_space<hbm>> -> memref<10000x128xf32, #tpu.memory_space<hbm>>
    tpu.enqueue_indirect_dma source(%dma_start3A_25 : memref<10000x128xf32, #tpu.memory_space<hbm>>) target(%arg10 : memref<80x128xf32, #tpu.memory_space<vmem>>) offsets(%dma_start3A_22 : memref<80xi32, #tpu.memory_space<vmem>>) semaphore(%arg17 : memref<!tpu.dma_semaphore, #tpu.memory_space<semaphore_mem>>)
    %add3A_26 = arith.constant 80 : i32
    %add3A_27 = arith.addi %mul3A_2, %add3A_26 : i32
    %dma_start3A_28 = tpu.memref_slice %arg4[%add3A_27] : memref<320000xi32, #tpu.memory_space<hbm>> -> memref<80xi32, #tpu.memory_space<hbm>>
    %dma_start3A_29 = tpu.memref_slice %arg4[%add3A_27] : memref<320000xi32, #tpu.memory_space<hbm>> -> memref<80xi32, #tpu.memory_space<hbm>>
    tpu.enqueue_dma source(%dma_start3A_29 : memref<80xi32, #tpu.memory_space<hbm>>) target(%arg8 : memref<80xi32, #tpu.memory_space<vmem>>) target_semaphore(%arg15 : memref<!tpu.dma_semaphore, #tpu.memory_space<semaphore_mem>>)
    %dma_start3A_30 = arith.constant 80 : i32
    %dma_start3A_31 = tpu.memref_slice %arg6[%dma_start3A_30] : memref<10000xi32, #tpu.memory_space<vmem>> -> memref<80xi32, #tpu.memory_space<vmem>>
    %dma_start3A_32 = arith.constant 0 : i32
    %dma_start3A_33 = arith.constant 0 : i32
    %dma_start3A_34 = tpu.memref_slice %arg2[%dma_start3A_32, %dma_start3A_33] : memref<10000x128xf32, #tpu.memory_space<hbm>> -> memref<10000x128xf32, #tpu.memory_space<hbm>>
    tpu.enqueue_indirect_dma source(%dma_start3A_34 : memref<10000x128xf32, #tpu.memory_space<hbm>>) target(%arg11 : memref<80x128xf32, #tpu.memory_space<vmem>>) offsets(%dma_start3A_31 : memref<80xi32, #tpu.memory_space<vmem>>) semaphore(%arg18 : memref<!tpu.dma_semaphore, #tpu.memory_space<semaphore_mem>>)
    %add3A_35 = arith.constant 160 : i32
    %add3A_36 = arith.addi %mul3A_2, %add3A_35 : i32
    %dma_start3A_37 = tpu.memref_slice %arg4[%add3A_36] : memref<320000xi32, #tpu.memory_space<hbm>> -> memref<80xi32, #tpu.memory_space<hbm>>
    %dma_start3A_38 = tpu.memref_slice %arg4[%add3A_36] : memref<320000xi32, #tpu.memory_space<hbm>> -> memref<80xi32, #tpu.memory_space<hbm>>
    tpu.enqueue_dma source(%dma_start3A_38 : memref<80xi32, #tpu.memory_space<hbm>>) target(%arg9 : memref<80xi32, #tpu.memory_space<vmem>>) target_semaphore(%arg16 : memref<!tpu.dma_semaphore, #tpu.memory_space<semaphore_mem>>)
    %dma_start3A_39 = arith.constant 160 : i32
    %dma_start3A_40 = tpu.memref_slice %arg6[%dma_start3A_39] : memref<10000xi32, #tpu.memory_space<vmem>> -> memref<80xi32, #tpu.memory_space<vmem>>
    %dma_start3A_41 = arith.constant 0 : i32
    %dma_start3A_42 = arith.constant 0 : i32
    %dma_start3A_43 = tpu.memref_slice %arg2[%dma_start3A_41, %dma_start3A_42] : memref<10000x128xf32, #tpu.memory_space<hbm>> -> memref<10000x128xf32, #tpu.memory_space<hbm>>
    tpu.enqueue_indirect_dma source(%dma_start3A_43 : memref<10000x128xf32, #tpu.memory_space<hbm>>) target(%arg12 : memref<80x128xf32, #tpu.memory_space<vmem>>) offsets(%dma_start3A_40 : memref<80xi32, #tpu.memory_space<vmem>>) semaphore(%arg19 : memref<!tpu.dma_semaphore, #tpu.memory_space<semaphore_mem>>)
    %scan3A_44 = arith.constant 0 : i32
    %scan3A_45 = arith.constant 0 : i32
    %scan3A_46 = arith.constant 41 : i32
    %scan3A_47 = arith.addi %scan3A_45, %scan3A_46 : i32
    %scan3A_48 = arith.constant 1 : i32
    %scan3A_49 = scf.for %scan3A_78 = %scan3A_45 to %scan3A_47 step %scan3A_48 iter_args(%scan3A_79 = %scan3A_44) -> (i32)  : i32 {
      %mul3A_80 = arith.constant 3 : i32
      %mul3A_81 = arith.muli %mul3A_80, %scan3A_78 : i32
      %dma_wait3A_82 = arith.constant 0 : i32
      %dma_wait3A_83 = arith.constant 0 : i32
      %dma_wait3A_84 = tpu.memref_slice %arg2[%dma_wait3A_82, %dma_wait3A_83] : memref<10000x128xf32, #tpu.memory_space<hbm>> -> memref<80x128xf32, #tpu.memory_space<hbm>>
      %dma_wait3A_85 = arith.constant 0 : i32
      %dma_wait3A_86 = arith.constant 0 : i32
      %dma_wait3A_87 = tpu.memref_slice %arg2[%dma_wait3A_85, %dma_wait3A_86] : memref<10000x128xf32, #tpu.memory_space<hbm>> -> memref<80x128xf32, #tpu.memory_space<hbm>>
      tpu.wait_dma2 semaphore(%arg17 : memref<!tpu.dma_semaphore, #tpu.memory_space<semaphore_mem>>) src(%dma_wait3A_87 : memref<80x128xf32, #tpu.memory_space<hbm>>) dst(%arg10 : memref<80x128xf32, #tpu.memory_space<vmem>>)
      %dma_wait3A_88 = arith.constant 0 : i32
      %dma_wait3A_89 = tpu.memref_slice %arg4[%dma_wait3A_88] : memref<320000xi32, #tpu.memory_space<hbm>> -> memref<80xi32, #tpu.memory_space<hbm>>
      %dma_wait3A_90 = arith.constant 0 : i32
      %dma_wait3A_91 = tpu.memref_slice %arg4[%dma_wait3A_90] : memref<320000xi32, #tpu.memory_space<hbm>> -> memref<80xi32, #tpu.memory_space<hbm>>
      tpu.wait_dma2 semaphore(%arg14 : memref<!tpu.dma_semaphore, #tpu.memory_space<semaphore_mem>>) src(%dma_wait3A_91 : memref<80xi32, #tpu.memory_space<hbm>>) dst(%arg7 : memref<80xi32, #tpu.memory_space<vmem>>)
      "tpu.region"() ({
        %run_scoped3A = tpu.sem_alloc : memref<!tpu.dma_semaphore, #tpu.memory_space<semaphore_mem>>
        %dma_start3A_149 = arith.constant 0 : i32
        %dma_start3A_150 = arith.constant 0 : i32
        %dma_start3A_151 = tpu.memref_slice %arg13[%dma_start3A_149, %dma_start3A_150] : memref<10240x128xf32, #tpu.memory_space<vmem_shared>> -> memref<10240x128xf32, #tpu.memory_space<vmem_shared>>
        tpu.enqueue_indirect_dma source(%arg10 : memref<80x128xf32, #tpu.memory_space<vmem>>) target(%dma_start3A_151 : memref<10240x128xf32, #tpu.memory_space<vmem_shared>>) offsets(%arg7 : memref<80xi32, #tpu.memory_space<vmem>>) semaphore(%run_scoped3A : memref<!tpu.dma_semaphore, #tpu.memory_space<semaphore_mem>>) {add = true}
        %dma_wait3A_152 = arith.constant 0 : i32
        %dma_wait3A_153 = arith.constant 0 : i32
        %dma_wait3A_154 = tpu.memref_slice %arg13[%dma_wait3A_152, %dma_wait3A_153] : memref<10240x128xf32, #tpu.memory_space<vmem_shared>> -> memref<10240x128xf32, #tpu.memory_space<vmem_shared>>
        tpu.wait_indirect_dma semaphore(%run_scoped3A : memref<!tpu.dma_semaphore, #tpu.memory_space<semaphore_mem>>) src(%arg10 : memref<80x128xf32, #tpu.memory_space<vmem>>) dst(%dma_wait3A_154 : memref<10240x128xf32, #tpu.memory_space<vmem_shared>>)
        tpu.yield
      }) : () -> ()
      %add3A_92 = arith.constant 0 : i32
      %add3A_93 = arith.addi %mul3A_81, %add3A_92 : i32
      %add3A_94 = arith.constant 3 : i32
      %add3A_95 = arith.addi %add3A_93, %add3A_94 : i32
      %lt3A = arith.constant 125 : i32
      %lt3A_96 = arith.cmpi slt, %add3A_95, %lt3A : i32
      %add3A_97 = arith.constant 0 : i32
      %add3A_98 = arith.addi %mul3A_81, %add3A_97 : i32
      %add3A_99 = arith.constant 3 : i32
      %add3A_100 = arith.addi %add3A_98, %add3A_99 : i32
      %convert_element_type3A = arith.extui %lt3A_96 : i1 to i32
      %cond3A = arith.constant 0 : i32
      %cond3A_101 = arith.cmpi ne, %convert_element_type3A, %cond3A : i32
      scf.if %cond3A_101 {
        %mul3A_149 = arith.constant 80 : i32
        %mul3A_150 = arith.muli %add3A_100, %mul3A_149 : i32
        %add3A_151 = arith.addi %mul3A_2, %mul3A_150 : i32
        %dma_start3A_152 = tpu.memref_slice %arg4[%add3A_151] : memref<320000xi32, #tpu.memory_space<hbm>> -> memref<80xi32, #tpu.memory_space<hbm>>
        %dma_start3A_153 = tpu.memref_slice %arg4[%add3A_151] : memref<320000xi32, #tpu.memory_space<hbm>> -> memref<80xi32, #tpu.memory_space<hbm>>
        tpu.enqueue_dma source(%dma_start3A_153 : memref<80xi32, #tpu.memory_space<hbm>>) target(%arg7 : memref<80xi32, #tpu.memory_space<vmem>>) target_semaphore(%arg14 : memref<!tpu.dma_semaphore, #tpu.memory_space<semaphore_mem>>)
        %mul3A_154 = arith.constant 80 : i32
        %mul3A_155 = arith.muli %add3A_100, %mul3A_154 : i32
        %dma_start3A_156 = tpu.memref_slice %arg6[%mul3A_155] : memref<10000xi32, #tpu.memory_space<vmem>> -> memref<80xi32, #tpu.memory_space<vmem>>
        %dma_start3A_157 = arith.constant 0 : i32
        %dma_start3A_158 = arith.constant 0 : i32
        %dma_start3A_159 = tpu.memref_slice %arg2[%dma_start3A_157, %dma_start3A_158] : memref<10000x128xf32, #tpu.memory_space<hbm>> -> memref<10000x128xf32, #tpu.memory_space<hbm>>
        tpu.enqueue_indirect_dma source(%dma_start3A_159 : memref<10000x128xf32, #tpu.memory_space<hbm>>) target(%arg10 : memref<80x128xf32, #tpu.memory_space<vmem>>) offsets(%dma_start3A_156 : memref<80xi32, #tpu.memory_space<vmem>>) semaphore(%arg17 : memref<!tpu.dma_semaphore, #tpu.memory_space<semaphore_mem>>)
      } else {
      }
      %dma_wait3A_102 = arith.constant 0 : i32
      %dma_wait3A_103 = arith.constant 0 : i32
      %dma_wait3A_104 = tpu.memref_slice %arg2[%dma_wait3A_102, %dma_wait3A_103] : memref<10000x128xf32, #tpu.memory_space<hbm>> -> memref<80x128xf32, #tpu.memory_space<hbm>>
      %dma_wait3A_105 = arith.constant 0 : i32
      %dma_wait3A_106 = arith.constant 0 : i32
      %dma_wait3A_107 = tpu.memref_slice %arg2[%dma_wait3A_105, %dma_wait3A_106] : memref<10000x128xf32, #tpu.memory_space<hbm>> -> memref<80x128xf32, #tpu.memory_space<hbm>>
      tpu.wait_dma2 semaphore(%arg18 : memref<!tpu.dma_semaphore, #tpu.memory_space<semaphore_mem>>) src(%dma_wait3A_107 : memref<80x128xf32, #tpu.memory_space<hbm>>) dst(%arg11 : memref<80x128xf32, #tpu.memory_space<vmem>>)
      %dma_wait3A_108 = arith.constant 0 : i32
      %dma_wait3A_109 = tpu.memref_slice %arg4[%dma_wait3A_108] : memref<320000xi32, #tpu.memory_space<hbm>> -> memref<80xi32, #tpu.memory_space<hbm>>
      %dma_wait3A_110 = arith.constant 0 : i32
      %dma_wait3A_111 = tpu.memref_slice %arg4[%dma_wait3A_110] : memref<320000xi32, #tpu.memory_space<hbm>> -> memref<80xi32, #tpu.memory_space<hbm>>
      tpu.wait_dma2 semaphore(%arg15 : memref<!tpu.dma_semaphore, #tpu.memory_space<semaphore_mem>>) src(%dma_wait3A_111 : memref<80xi32, #tpu.memory_space<hbm>>) dst(%arg8 : memref<80xi32, #tpu.memory_space<vmem>>)
      "tpu.region"() ({
        %run_scoped3A = tpu.sem_alloc : memref<!tpu.dma_semaphore, #tpu.memory_space<semaphore_mem>>
        %dma_start3A_149 = arith.constant 0 : i32
        %dma_start3A_150 = arith.constant 0 : i32
        %dma_start3A_151 = tpu.memref_slice %arg13[%dma_start3A_149, %dma_start3A_150] : memref<10240x128xf32, #tpu.memory_space<vmem_shared>> -> memref<10240x128xf32, #tpu.memory_space<vmem_shared>>
        tpu.enqueue_indirect_dma source(%arg11 : memref<80x128xf32, #tpu.memory_space<vmem>>) target(%dma_start3A_151 : memref<10240x128xf32, #tpu.memory_space<vmem_shared>>) offsets(%arg8 : memref<80xi32, #tpu.memory_space<vmem>>) semaphore(%run_scoped3A : memref<!tpu.dma_semaphore, #tpu.memory_space<semaphore_mem>>) {add = true}
        %dma_wait3A_152 = arith.constant 0 : i32
        %dma_wait3A_153 = arith.constant 0 : i32
        %dma_wait3A_154 = tpu.memref_slice %arg13[%dma_wait3A_152, %dma_wait3A_153] : memref<10240x128xf32, #tpu.memory_space<vmem_shared>> -> memref<10240x128xf32, #tpu.memory_space<vmem_shared>>
        tpu.wait_indirect_dma semaphore(%run_scoped3A : memref<!tpu.dma_semaphore, #tpu.memory_space<semaphore_mem>>) src(%arg11 : memref<80x128xf32, #tpu.memory_space<vmem>>) dst(%dma_wait3A_154 : memref<10240x128xf32, #tpu.memory_space<vmem_shared>>)
        tpu.yield
      }) : () -> ()
      %add3A_112 = arith.constant 1 : i32
      %add3A_113 = arith.addi %mul3A_81, %add3A_112 : i32
      %add3A_114 = arith.constant 3 : i32
      %add3A_115 = arith.addi %add3A_113, %add3A_114 : i32
      %lt3A_116 = arith.constant 125 : i32
      %lt3A_117 = arith.cmpi slt, %add3A_115, %lt3A_116 : i32
      %add3A_118 = arith.constant 1 : i32
      %add3A_119 = arith.addi %mul3A_81, %add3A_118 : i32
      %add3A_120 = arith.constant 3 : i32
      %add3A_121 = arith.addi %add3A_119, %add3A_120 : i32
      %convert_element_type3A_122 = arith.extui %lt3A_117 : i1 to i32
      %cond3A_123 = arith.constant 0 : i32
      %cond3A_124 = arith.cmpi ne, %convert_element_type3A_122, %cond3A_123 : i32
      scf.if %cond3A_124 {
        %mul3A_149 = arith.constant 80 : i32
        %mul3A_150 = arith.muli %add3A_121, %mul3A_149 : i32
        %add3A_151 = arith.addi %mul3A_2, %mul3A_150 : i32
        %dma_start3A_152 = tpu.memref_slice %arg4[%add3A_151] : memref<320000xi32, #tpu.memory_space<hbm>> -> memref<80xi32, #tpu.memory_space<hbm>>
        %dma_start3A_153 = tpu.memref_slice %arg4[%add3A_151] : memref<320000xi32, #tpu.memory_space<hbm>> -> memref<80xi32, #tpu.memory_space<hbm>>
        tpu.enqueue_dma source(%dma_start3A_153 : memref<80xi32, #tpu.memory_space<hbm>>) target(%arg8 : memref<80xi32, #tpu.memory_space<vmem>>) target_semaphore(%arg15 : memref<!tpu.dma_semaphore, #tpu.memory_space<semaphore_mem>>)
        %mul3A_154 = arith.constant 80 : i32
        %mul3A_155 = arith.muli %add3A_121, %mul3A_154 : i32
        %dma_start3A_156 = tpu.memref_slice %arg6[%mul3A_155] : memref<10000xi32, #tpu.memory_space<vmem>> -> memref<80xi32, #tpu.memory_space<vmem>>
        %dma_start3A_157 = arith.constant 0 : i32
        %dma_start3A_158 = arith.constant 0 : i32
        %dma_start3A_159 = tpu.memref_slice %arg2[%dma_start3A_157, %dma_start3A_158] : memref<10000x128xf32, #tpu.memory_space<hbm>> -> memref<10000x128xf32, #tpu.memory_space<hbm>>
        tpu.enqueue_indirect_dma source(%dma_start3A_159 : memref<10000x128xf32, #tpu.memory_space<hbm>>) target(%arg11 : memref<80x128xf32, #tpu.memory_space<vmem>>) offsets(%dma_start3A_156 : memref<80xi32, #tpu.memory_space<vmem>>) semaphore(%arg18 : memref<!tpu.dma_semaphore, #tpu.memory_space<semaphore_mem>>)
      } else {
      }
      %dma_wait3A_125 = arith.constant 0 : i32
      %dma_wait3A_126 = arith.constant 0 : i32
      %dma_wait3A_127 = tpu.memref_slice %arg2[%dma_wait3A_125, %dma_wait3A_126] : memref<10000x128xf32, #tpu.memory_space<hbm>> -> memref<80x128xf32, #tpu.memory_space<hbm>>
      %dma_wait3A_128 = arith.constant 0 : i32
      %dma_wait3A_129 = arith.constant 0 : i32
      %dma_wait3A_130 = tpu.memref_slice %arg2[%dma_wait3A_128, %dma_wait3A_129] : memref<10000x128xf32, #tpu.memory_space<hbm>> -> memref<80x128xf32, #tpu.memory_space<hbm>>
      tpu.wait_dma2 semaphore(%arg19 : memref<!tpu.dma_semaphore, #tpu.memory_space<semaphore_mem>>) src(%dma_wait3A_130 : memref<80x128xf32, #tpu.memory_space<hbm>>) dst(%arg12 : memref<80x128xf32, #tpu.memory_space<vmem>>)
      %dma_wait3A_131 = arith.constant 0 : i32
      %dma_wait3A_132 = tpu.memref_slice %arg4[%dma_wait3A_131] : memref<320000xi32, #tpu.memory_space<hbm>> -> memref<80xi32, #tpu.memory_space<hbm>>
      %dma_wait3A_133 = arith.constant 0 : i32
      %dma_wait3A_134 = tpu.memref_slice %arg4[%dma_wait3A_133] : memref<320000xi32, #tpu.memory_space<hbm>> -> memref<80xi32, #tpu.memory_space<hbm>>
      tpu.wait_dma2 semaphore(%arg16 : memref<!tpu.dma_semaphore, #tpu.memory_space<semaphore_mem>>) src(%dma_wait3A_134 : memref<80xi32, #tpu.memory_space<hbm>>) dst(%arg9 : memref<80xi32, #tpu.memory_space<vmem>>)
      "tpu.region"() ({
        %run_scoped3A = tpu.sem_alloc : memref<!tpu.dma_semaphore, #tpu.memory_space<semaphore_mem>>
        %dma_start3A_149 = arith.constant 0 : i32
        %dma_start3A_150 = arith.constant 0 : i32
        %dma_start3A_151 = tpu.memref_slice %arg13[%dma_start3A_149, %dma_start3A_150] : memref<10240x128xf32, #tpu.memory_space<vmem_shared>> -> memref<10240x128xf32, #tpu.memory_space<vmem_shared>>
        tpu.enqueue_indirect_dma source(%arg12 : memref<80x128xf32, #tpu.memory_space<vmem>>) target(%dma_start3A_151 : memref<10240x128xf32, #tpu.memory_space<vmem_shared>>) offsets(%arg9 : memref<80xi32, #tpu.memory_space<vmem>>) semaphore(%run_scoped3A : memref<!tpu.dma_semaphore, #tpu.memory_space<semaphore_mem>>) {add = true}
        %dma_wait3A_152 = arith.constant 0 : i32
        %dma_wait3A_153 = arith.constant 0 : i32
        %dma_wait3A_154 = tpu.memref_slice %arg13[%dma_wait3A_152, %dma_wait3A_153] : memref<10240x128xf32, #tpu.memory_space<vmem_shared>> -> memref<10240x128xf32, #tpu.memory_space<vmem_shared>>
        tpu.wait_indirect_dma semaphore(%run_scoped3A : memref<!tpu.dma_semaphore, #tpu.memory_space<semaphore_mem>>) src(%arg12 : memref<80x128xf32, #tpu.memory_space<vmem>>) dst(%dma_wait3A_154 : memref<10240x128xf32, #tpu.memory_space<vmem_shared>>)
        tpu.yield
      }) : () -> ()
      %add3A_135 = arith.constant 2 : i32
      %add3A_136 = arith.addi %mul3A_81, %add3A_135 : i32
      %add3A_137 = arith.constant 3 : i32
      %add3A_138 = arith.addi %add3A_136, %add3A_137 : i32
      %lt3A_139 = arith.constant 125 : i32
      %lt3A_140 = arith.cmpi slt, %add3A_138, %lt3A_139 : i32
      %add3A_141 = arith.constant 2 : i32
      %add3A_142 = arith.addi %mul3A_81, %add3A_141 : i32
      %add3A_143 = arith.constant 3 : i32
      %add3A_144 = arith.addi %add3A_142, %add3A_143 : i32
      %convert_element_type3A_145 = arith.extui %lt3A_140 : i1 to i32
      %cond3A_146 = arith.constant 0 : i32
      %cond3A_147 = arith.cmpi ne, %convert_element_type3A_145, %cond3A_146 : i32
      scf.if %cond3A_147 {
        %mul3A_149 = arith.constant 80 : i32
        %mul3A_150 = arith.muli %add3A_144, %mul3A_149 : i32
        %add3A_151 = arith.addi %mul3A_2, %mul3A_150 : i32
        %dma_start3A_152 = tpu.memref_slice %arg4[%add3A_151] : memref<320000xi32, #tpu.memory_space<hbm>> -> memref<80xi32, #tpu.memory_space<hbm>>
        %dma_start3A_153 = tpu.memref_slice %arg4[%add3A_151] : memref<320000xi32, #tpu.memory_space<hbm>> -> memref<80xi32, #tpu.memory_space<hbm>>
        tpu.enqueue_dma source(%dma_start3A_153 : memref<80xi32, #tpu.memory_space<hbm>>) target(%arg9 : memref<80xi32, #tpu.memory_space<vmem>>) target_semaphore(%arg16 : memref<!tpu.dma_semaphore, #tpu.memory_space<semaphore_mem>>)
        %mul3A_154 = arith.constant 80 : i32
        %mul3A_155 = arith.muli %add3A_144, %mul3A_154 : i32
        %dma_start3A_156 = tpu.memref_slice %arg6[%mul3A_155] : memref<10000xi32, #tpu.memory_space<vmem>> -> memref<80xi32, #tpu.memory_space<vmem>>
        %dma_start3A_157 = arith.constant 0 : i32
        %dma_start3A_158 = arith.constant 0 : i32
        %dma_start3A_159 = tpu.memref_slice %arg2[%dma_start3A_157, %dma_start3A_158] : memref<10000x128xf32, #tpu.memory_space<hbm>> -> memref<10000x128xf32, #tpu.memory_space<hbm>>
        tpu.enqueue_indirect_dma source(%dma_start3A_159 : memref<10000x128xf32, #tpu.memory_space<hbm>>) target(%arg12 : memref<80x128xf32, #tpu.memory_space<vmem>>) offsets(%dma_start3A_156 : memref<80xi32, #tpu.memory_space<vmem>>) semaphore(%arg19 : memref<!tpu.dma_semaphore, #tpu.memory_space<semaphore_mem>>)
      } else {
      }
      %scan3A_148 = arith.constant 0 : i32
      scf.yield %scan3A_148 : i32
    }
    %scan3A_50 = arith.constant 41 : i32
    %dma_wait3A = arith.constant 0 : i32
    %dma_wait3A_51 = arith.constant 0 : i32
    %dma_wait3A_52 = tpu.memref_slice %arg2[%dma_wait3A, %dma_wait3A_51] : memref<10000x128xf32, #tpu.memory_space<hbm>> -> memref<80x128xf32, #tpu.memory_space<hbm>>
    %dma_wait3A_53 = arith.constant 0 : i32
    %dma_wait3A_54 = arith.constant 0 : i32
    %dma_wait3A_55 = tpu.memref_slice %arg2[%dma_wait3A_53, %dma_wait3A_54] : memref<10000x128xf32, #tpu.memory_space<hbm>> -> memref<80x128xf32, #tpu.memory_space<hbm>>
    tpu.wait_dma2 semaphore(%arg17 : memref<!tpu.dma_semaphore, #tpu.memory_space<semaphore_mem>>) src(%dma_wait3A_55 : memref<80x128xf32, #tpu.memory_space<hbm>>) dst(%arg10 : memref<80x128xf32, #tpu.memory_space<vmem>>)
    %dma_wait3A_56 = arith.constant 0 : i32
    %dma_wait3A_57 = tpu.memref_slice %arg4[%dma_wait3A_56] : memref<320000xi32, #tpu.memory_space<hbm>> -> memref<80xi32, #tpu.memory_space<hbm>>
    %dma_wait3A_58 = arith.constant 0 : i32
    %dma_wait3A_59 = tpu.memref_slice %arg4[%dma_wait3A_58] : memref<320000xi32, #tpu.memory_space<hbm>> -> memref<80xi32, #tpu.memory_space<hbm>>
    tpu.wait_dma2 semaphore(%arg14 : memref<!tpu.dma_semaphore, #tpu.memory_space<semaphore_mem>>) src(%dma_wait3A_59 : memref<80xi32, #tpu.memory_space<hbm>>) dst(%arg7 : memref<80xi32, #tpu.memory_space<vmem>>)
    "tpu.region"() ({
      %run_scoped3A = tpu.sem_alloc : memref<!tpu.dma_semaphore, #tpu.memory_space<semaphore_mem>>
      %dma_start3A_78 = arith.constant 0 : i32
      %dma_start3A_79 = arith.constant 0 : i32
      %dma_start3A_80 = tpu.memref_slice %arg13[%dma_start3A_78, %dma_start3A_79] : memref<10240x128xf32, #tpu.memory_space<vmem_shared>> -> memref<10240x128xf32, #tpu.memory_space<vmem_shared>>
      tpu.enqueue_indirect_dma source(%arg10 : memref<80x128xf32, #tpu.memory_space<vmem>>) target(%dma_start3A_80 : memref<10240x128xf32, #tpu.memory_space<vmem_shared>>) offsets(%arg7 : memref<80xi32, #tpu.memory_space<vmem>>) semaphore(%run_scoped3A : memref<!tpu.dma_semaphore, #tpu.memory_space<semaphore_mem>>) {add = true}
      %dma_wait3A_81 = arith.constant 0 : i32
      %dma_wait3A_82 = arith.constant 0 : i32
      %dma_wait3A_83 = tpu.memref_slice %arg13[%dma_wait3A_81, %dma_wait3A_82] : memref<10240x128xf32, #tpu.memory_space<vmem_shared>> -> memref<10240x128xf32, #tpu.memory_space<vmem_shared>>
      tpu.wait_indirect_dma semaphore(%run_scoped3A : memref<!tpu.dma_semaphore, #tpu.memory_space<semaphore_mem>>) src(%arg10 : memref<80x128xf32, #tpu.memory_space<vmem>>) dst(%dma_wait3A_83 : memref<10240x128xf32, #tpu.memory_space<vmem_shared>>)
      tpu.yield
    }) : () -> ()
    %dma_wait3A_60 = arith.constant 0 : i32
    %dma_wait3A_61 = arith.constant 0 : i32
    %dma_wait3A_62 = tpu.memref_slice %arg2[%dma_wait3A_60, %dma_wait3A_61] : memref<10000x128xf32, #tpu.memory_space<hbm>> -> memref<80x128xf32, #tpu.memory_space<hbm>>
    %dma_wait3A_63 = arith.constant 0 : i32
    %dma_wait3A_64 = arith.constant 0 : i32
    %dma_wait3A_65 = tpu.memref_slice %arg2[%dma_wait3A_63, %dma_wait3A_64] : memref<10000x128xf32, #tpu.memory_space<hbm>> -> memref<80x128xf32, #tpu.memory_space<hbm>>
    tpu.wait_dma2 semaphore(%arg18 : memref<!tpu.dma_semaphore, #tpu.memory_space<semaphore_mem>>) src(%dma_wait3A_65 : memref<80x128xf32, #tpu.memory_space<hbm>>) dst(%arg11 : memref<80x128xf32, #tpu.memory_space<vmem>>)
    %dma_wait3A_66 = arith.constant 0 : i32
    %dma_wait3A_67 = tpu.memref_slice %arg4[%dma_wait3A_66] : memref<320000xi32, #tpu.memory_space<hbm>> -> memref<80xi32, #tpu.memory_space<hbm>>
    %dma_wait3A_68 = arith.constant 0 : i32
    %dma_wait3A_69 = tpu.memref_slice %arg4[%dma_wait3A_68] : memref<320000xi32, #tpu.memory_space<hbm>> -> memref<80xi32, #tpu.memory_space<hbm>>
    tpu.wait_dma2 semaphore(%arg15 : memref<!tpu.dma_semaphore, #tpu.memory_space<semaphore_mem>>) src(%dma_wait3A_69 : memref<80xi32, #tpu.memory_space<hbm>>) dst(%arg8 : memref<80xi32, #tpu.memory_space<vmem>>)
    "tpu.region"() ({
      %run_scoped3A = tpu.sem_alloc : memref<!tpu.dma_semaphore, #tpu.memory_space<semaphore_mem>>
      %dma_start3A_78 = arith.constant 0 : i32
      %dma_start3A_79 = arith.constant 0 : i32
      %dma_start3A_80 = tpu.memref_slice %arg13[%dma_start3A_78, %dma_start3A_79] : memref<10240x128xf32, #tpu.memory_space<vmem_shared>> -> memref<10240x128xf32, #tpu.memory_space<vmem_shared>>
      tpu.enqueue_indirect_dma source(%arg11 : memref<80x128xf32, #tpu.memory_space<vmem>>) target(%dma_start3A_80 : memref<10240x128xf32, #tpu.memory_space<vmem_shared>>) offsets(%arg8 : memref<80xi32, #tpu.memory_space<vmem>>) semaphore(%run_scoped3A : memref<!tpu.dma_semaphore, #tpu.memory_space<semaphore_mem>>) {add = true}
      %dma_wait3A_81 = arith.constant 0 : i32
      %dma_wait3A_82 = arith.constant 0 : i32
      %dma_wait3A_83 = tpu.memref_slice %arg13[%dma_wait3A_81, %dma_wait3A_82] : memref<10240x128xf32, #tpu.memory_space<vmem_shared>> -> memref<10240x128xf32, #tpu.memory_space<vmem_shared>>
      tpu.wait_indirect_dma semaphore(%run_scoped3A : memref<!tpu.dma_semaphore, #tpu.memory_space<semaphore_mem>>) src(%arg11 : memref<80x128xf32, #tpu.memory_space<vmem>>) dst(%dma_wait3A_83 : memref<10240x128xf32, #tpu.memory_space<vmem_shared>>)
      tpu.yield
    }) : () -> ()
    %barrier3A_70 = arith.constant 0 : index
    tpu.barrier barrier_id(%barrier3A_70)
    %scan3A_71 = arith.constant 0 : i32
    %scan3A_72 = arith.constant 0 : i32
    %scan3A_73 = arith.constant 8 : i32
    %scan3A_74 = arith.addi %scan3A_72, %scan3A_73 : i32
    %scan3A_75 = arith.constant 1 : i32
    %scan3A_76 = scf.for %scan3A_78 = %scan3A_72 to %scan3A_74 step %scan3A_75 iter_args(%scan3A_79 = %scan3A_71) -> (i32)  : i32 {
      %mul3A_80 = arith.constant 80 : i32
      %mul3A_81 = arith.muli %scan3A_78, %mul3A_80 : i32
      %add3A_82 = arith.addi %mul3A_4, %mul3A_81 : i32
      "tpu.region"() ({
        %run_scoped3A = tpu.sem_alloc : memref<!tpu.dma_semaphore, #tpu.memory_space<semaphore_mem>>
        %dma_start3A_84 = arith.constant 0 : i32
        %dma_start3A_85 = tpu.memref_slice %arg13[%add3A_82, %dma_start3A_84] : memref<10240x128xf32, #tpu.memory_space<vmem_shared>> -> memref<80x128xf32, #tpu.memory_space<vmem_shared>>
        %dma_start3A_86 = arith.constant 0 : i32
        %dma_start3A_87 = tpu.memref_slice %arg13[%add3A_82, %dma_start3A_86] : memref<10240x128xf32, #tpu.memory_space<vmem_shared>> -> memref<80x128xf32, #tpu.memory_space<vmem_shared>>
        tpu.enqueue_dma source(%dma_start3A_87 : memref<80x128xf32, #tpu.memory_space<vmem_shared>>) target(%arg10 : memref<80x128xf32, #tpu.memory_space<vmem>>) target_semaphore(%run_scoped3A : memref<!tpu.dma_semaphore, #tpu.memory_space<semaphore_mem>>)
        %dma_wait3A_88 = arith.constant 0 : i32
        %dma_wait3A_89 = tpu.memref_slice %arg13[%add3A_82, %dma_wait3A_88] : memref<10240x128xf32, #tpu.memory_space<vmem_shared>> -> memref<80x128xf32, #tpu.memory_space<vmem_shared>>
        %dma_wait3A_90 = arith.constant 0 : i32
        %dma_wait3A_91 = tpu.memref_slice %arg13[%add3A_82, %dma_wait3A_90] : memref<10240x128xf32, #tpu.memory_space<vmem_shared>> -> memref<80x128xf32, #tpu.memory_space<vmem_shared>>
        tpu.wait_dma2 semaphore(%run_scoped3A : memref<!tpu.dma_semaphore, #tpu.memory_space<semaphore_mem>>) src(%dma_wait3A_91 : memref<80x128xf32, #tpu.memory_space<vmem_shared>>) dst(%arg10 : memref<80x128xf32, #tpu.memory_space<vmem>>)
        tpu.yield
      }) : () -> ()
      "tpu.region"() ({
        %run_scoped3A = tpu.sem_alloc : memref<!tpu.dma_semaphore, #tpu.memory_space<semaphore_mem>>
        %dma_start3A_84 = arith.constant 0 : i32
        %dma_start3A_85 = tpu.memref_slice %arg5[%arg0, %add3A_82, %dma_start3A_84] : memref<2x10240x128xf32, #tpu.memory_space<hbm>> -> memref<1x80x128xf32, #tpu.memory_space<hbm>>
        %dma_start3A_86 = tpu.memref_squeeze %dma_start3A_85 : memref<1x80x128xf32, #tpu.memory_space<hbm>> -> memref<80x128xf32, #tpu.memory_space<hbm>>
        %dma_start3A_87 = arith.constant 0 : i32
        %dma_start3A_88 = tpu.memref_slice %arg5[%arg0, %add3A_82, %dma_start3A_87] : memref<2x10240x128xf32, #tpu.memory_space<hbm>> -> memref<1x80x128xf32, #tpu.memory_space<hbm>>
        %dma_start3A_89 = tpu.memref_squeeze %dma_start3A_88 : memref<1x80x128xf32, #tpu.memory_space<hbm>> -> memref<80x128xf32, #tpu.memory_space<hbm>>
        tpu.enqueue_dma source(%arg10 : memref<80x128xf32, #tpu.memory_space<vmem>>) target(%dma_start3A_89 : memref<80x128xf32, #tpu.memory_space<hbm>>) target_semaphore(%run_scoped3A : memref<!tpu.dma_semaphore, #tpu.memory_space<semaphore_mem>>)
        %dma_wait3A_90 = arith.constant 0 : i32
        %dma_wait3A_91 = tpu.memref_slice %arg5[%arg0, %add3A_82, %dma_wait3A_90] : memref<2x10240x128xf32, #tpu.memory_space<hbm>> -> memref<1x80x128xf32, #tpu.memory_space<hbm>>
        %dma_wait3A_92 = tpu.memref_squeeze %dma_wait3A_91 : memref<1x80x128xf32, #tpu.memory_space<hbm>> -> memref<80x128xf32, #tpu.memory_space<hbm>>
        %dma_wait3A_93 = arith.constant 0 : i32
        %dma_wait3A_94 = tpu.memref_slice %arg5[%arg0, %add3A_82, %dma_wait3A_93] : memref<2x10240x128xf32, #tpu.memory_space<hbm>> -> memref<1x80x128xf32, #tpu.memory_space<hbm>>
        %dma_wait3A_95 = tpu.memref_squeeze %dma_wait3A_94 : memref<1x80x128xf32, #tpu.memory_space<hbm>> -> memref<80x128xf32, #tpu.memory_space<hbm>>
        tpu.wait_dma2 semaphore(%run_scoped3A : memref<!tpu.dma_semaphore, #tpu.memory_space<semaphore_mem>>) src(%arg10 : memref<80x128xf32, #tpu.memory_space<vmem>>) dst(%dma_wait3A_95 : memref<80x128xf32, #tpu.memory_space<hbm>>)
        tpu.yield
      }) : () -> ()
      %scan3A_83 = arith.constant 0 : i32
      scf.yield %scan3A_83 : i32
    }
    %scan3A_77 = arith.constant 8 : i32
    return
  }
}

module attributes {stable_mosaic.version = 14 : i64} {
  func.func @_prep_body(%arg0: memref<2x320000xi32, #tpu.memory_space<vmem>>, %arg1: memref<320000xi32, #tpu.memory_space<vmem>>, %arg2: memref<320000xi32, #tpu.memory_space<vmem>>) attributes {dimension_semantics = [], scalar_prefetch = 0 : i64, scratch_operands = 0 : i64, tpu.core_type = #tpu.core_type<tc>} {
    %get3A = arith.constant 0 : index
    %get3A_0 = arith.constant 0 : index
    %get3A_1 = vector.load %arg0[%get3A, %get3A_0] : memref<2x320000xi32, #tpu.memory_space<vmem>>, vector<1x320000xi32>
    %get3A_2 = vector.shape_cast %get3A_1 : vector<1x320000xi32> to vector<320000xi32>
    %swap3A = arith.constant 0 : index
    %swap3A_3 = vector.load %arg1[%swap3A] : memref<320000xi32, #tpu.memory_space<vmem>>, vector<320000xi32>
    tpu.vector_store %arg1[%swap3A], %get3A_2 {strides = array<i32>} : memref<320000xi32, #tpu.memory_space<vmem>>, vector<320000xi32>,
    %get3A_4 = arith.constant 1 : index
    %get3A_5 = arith.constant 0 : index
    %get3A_6 = vector.load %arg0[%get3A_4, %get3A_5] : memref<2x320000xi32, #tpu.memory_space<vmem>>, vector<1x320000xi32>
    %get3A_7 = vector.shape_cast %get3A_6 : vector<1x320000xi32> to vector<320000xi32>
    %swap3A_8 = arith.constant 0 : index
    %swap3A_9 = vector.load %arg2[%swap3A_8] : memref<320000xi32, #tpu.memory_space<vmem>>, vector<320000xi32>
    tpu.vector_store %arg2[%swap3A_8], %get3A_7 {strides = array<i32>} : memref<320000xi32, #tpu.memory_space<vmem>>, vector<320000xi32>,
    return
  }
}

module attributes {stable_mosaic.version = 14 : i64} {
  func.func @_tc_body(%arg0: i32, %arg1: memref<2000x128xf32, #tpu.memory_space<vmem>>, %arg2: memref<1x2000x128xf32, #tpu.memory_space<vmem>>, %arg3: memref<1x2000x128xf32, #tpu.memory_space<vmem>>, %arg4: memref<1x2000x16xf32, #tpu.memory_space<vmem>>, %arg5: memref<1x2000x16xf32, #tpu.memory_space<vmem>>, %arg6: memref<1x1x2000xi32, #tpu.memory_space<vmem>>, %arg7: memref<128x128xf32, #tpu.memory_space<vmem>>, %arg8: memref<128x128xf32, #tpu.memory_space<vmem>>, %arg9: memref<16x128xf32, #tpu.memory_space<vmem>>, %arg10: memref<1x128xf32, #tpu.memory_space<vmem>>, %arg11: memref<1x128xf32, #tpu.memory_space<vmem>>, %arg12: memref<1x1xf32, #tpu.memory_space<vmem>>, %arg13: memref<64x1xf32, #tpu.memory_space<vmem>>, %arg14: memref<64x128xf32, #tpu.memory_space<vmem>>, %arg15: memref<64x128xf32, #tpu.memory_space<vmem>>) attributes {dimension_semantics = [#tpu.dimension_semantics<arbitrary>], iteration_bounds = array<i64: 5>, scalar_prefetch = 0 : i64, scratch_operands = 2 : i64, tpu.core_type = #tpu.core_type<tc>, window_params = [{transform_indices = @transform_0, window_bounds = array<i64: 2000, 128>}, {transform_indices = @transform_1, window_bounds = array<i64: 1, 2000, 128>}, {transform_indices = @transform_2, window_bounds = array<i64: 1, 2000, 128>}, {transform_indices = @transform_3, window_bounds = array<i64: 1, 2000, 16>}, {transform_indices = @transform_4, window_bounds = array<i64: 1, 2000, 16>}, {transform_indices = @transform_5, window_bounds = array<i64: 1, 1, 2000>}, {pipeline_mode = #tpu.pipeline_mode<synchronous>, transform_indices = @transform_6, window_bounds = array<i64: 128, 128>}, {pipeline_mode = #tpu.pipeline_mode<synchronous>, transform_indices = @transform_7, window_bounds = array<i64: 128, 128>}, {pipeline_mode = #tpu.pipeline_mode<synchronous>, transform_indices = @transform_8, window_bounds = array<i64: 16, 128>}, {pipeline_mode = #tpu.pipeline_mode<synchronous>, transform_indices = @transform_9, window_bounds = array<i64: 1, 128>}, {pipeline_mode = #tpu.pipeline_mode<synchronous>, transform_indices = @transform_10, window_bounds = array<i64: 1, 128>}, {pipeline_mode = #tpu.pipeline_mode<synchronous>, transform_indices = @transform_11, window_bounds = array<i64: 1, 1>}, {pipeline_mode = #tpu.pipeline_mode<synchronous>, transform_indices = @transform_12, window_bounds = array<i64: 64, 1>}]} {
    %eq3A = arith.constant 0 : i32
    %eq3A_0 = arith.cmpi eq, %arg0, %eq3A : i32
    %convert_element_type3A = arith.extui %eq3A_0 : i1 to i32
    %cond3A = arith.constant 0 : i32
    %cond3A_1 = arith.cmpi ne, %convert_element_type3A, %cond3A : i32
    scf.if %cond3A_1 {
      %broadcast_in_dim3A_82 = arith.constant 0.000000e+00 : f32
      %broadcast_in_dim3A_83 = vector.broadcast %broadcast_in_dim3A_82 : f32 to vector<64x128xf32>
      %swap3A_84 = arith.constant 0 : index
      %swap3A_85 = arith.constant 0 : index
      %swap3A_86 = vector.load %arg14[%swap3A_84, %swap3A_85] : memref<64x128xf32, #tpu.memory_space<vmem>>, vector<64x128xf32>
      tpu.vector_store %arg14[%swap3A_84, %swap3A_85], %broadcast_in_dim3A_83 {strides = array<i32>} : memref<64x128xf32, #tpu.memory_space<vmem>>, vector<64x128xf32>,
      %broadcast_in_dim3A_87 = arith.constant 0.000000e+00 : f32
      %broadcast_in_dim3A_88 = vector.broadcast %broadcast_in_dim3A_87 : f32 to vector<64x128xf32>
      %swap3A_89 = arith.constant 0 : index
      %swap3A_90 = arith.constant 0 : index
      %swap3A_91 = vector.load %arg15[%swap3A_89, %swap3A_90] : memref<64x128xf32, #tpu.memory_space<vmem>>, vector<64x128xf32>
      tpu.vector_store %arg15[%swap3A_89, %swap3A_90], %broadcast_in_dim3A_88 {strides = array<i32>} : memref<64x128xf32, #tpu.memory_space<vmem>>, vector<64x128xf32>,
    } else {
    }
    %get3A = arith.constant 0 : index
    %get3A_2 = arith.constant 0 : index
    %get3A_3 = vector.load %arg1[%get3A, %get3A_2] : memref<2000x128xf32, #tpu.memory_space<vmem>>, vector<2000x128xf32>
    %get3A_4 = arith.constant 0 : index
    %get3A_5 = arith.constant 0 : index
    %get3A_6 = vector.load %arg7[%get3A_4, %get3A_5] : memref<128x128xf32, #tpu.memory_space<vmem>>, vector<128x128xf32>
    %dot_general3A = arith.constant dense<0.000000e+00> : vector<2000x128xf32>
    %dot_general3A_7 = tpu.matmul %get3A_3, %get3A_6, %dot_general3A {dimension_numbers = #tpu.dot_dimension_numbers<[1], [0], [0], [1], [0, 0, 1, 1], [], []>, precision = #tpu.contract_precision<fp32>, transpose_lhs_hint = false} : vector<2000x128xf32>, vector<128x128xf32>, vector<2000x128xf32> -> vector<2000x128xf32>
    %get3A_8 = arith.constant 0 : index
    %get3A_9 = arith.constant 0 : index
    %get3A_10 = arith.constant 0 : index
    %get3A_11 = vector.load %arg2[%get3A_8, %get3A_9, %get3A_10] : memref<1x2000x128xf32, #tpu.memory_space<vmem>>, vector<1x2000x128xf32>
    %get3A_12 = vector.shape_cast %get3A_11 : vector<1x2000x128xf32> to vector<2000x128xf32>
    %get3A_13 = arith.constant 0 : index
    %get3A_14 = arith.constant 0 : index
    %get3A_15 = arith.constant 0 : index
    %get3A_16 = vector.load %arg3[%get3A_13, %get3A_14, %get3A_15] : memref<1x2000x128xf32, #tpu.memory_space<vmem>>, vector<1x2000x128xf32>
    %get3A_17 = vector.shape_cast %get3A_16 : vector<1x2000x128xf32> to vector<2000x128xf32>
    %add3A = arith.addf %get3A_12, %get3A_17 : vector<2000x128xf32>
    %get3A_18 = arith.constant 0 : index
    %get3A_19 = arith.constant 0 : index
    %get3A_20 = vector.load %arg8[%get3A_18, %get3A_19] : memref<128x128xf32, #tpu.memory_space<vmem>>, vector<128x128xf32>
    %dot_general3A_21 = arith.constant dense<0.000000e+00> : vector<2000x128xf32>
    %dot_general3A_22 = tpu.matmul %add3A, %get3A_20, %dot_general3A_21 {dimension_numbers = #tpu.dot_dimension_numbers<[1], [0], [0], [1], [0, 0, 1, 1], [], []>, precision = #tpu.contract_precision<fp32>, transpose_lhs_hint = false} : vector<2000x128xf32>, vector<128x128xf32>, vector<2000x128xf32> -> vector<2000x128xf32>
    %add3A_23 = arith.addf %dot_general3A_7, %dot_general3A_22 : vector<2000x128xf32>
    %get3A_24 = arith.constant 0 : index
    %get3A_25 = arith.constant 0 : index
    %get3A_26 = arith.constant 0 : index
    %get3A_27 = vector.load %arg4[%get3A_24, %get3A_25, %get3A_26] : memref<1x2000x16xf32, #tpu.memory_space<vmem>>, vector<1x2000x16xf32>
    %get3A_28 = vector.shape_cast %get3A_27 : vector<1x2000x16xf32> to vector<2000x16xf32>
    %get3A_29 = arith.constant 0 : index
    %get3A_30 = arith.constant 0 : index
    %get3A_31 = arith.constant 0 : index
    %get3A_32 = vector.load %arg5[%get3A_29, %get3A_30, %get3A_31] : memref<1x2000x16xf32, #tpu.memory_space<vmem>>, vector<1x2000x16xf32>
    %get3A_33 = vector.shape_cast %get3A_32 : vector<1x2000x16xf32> to vector<2000x16xf32>
    %add3A_34 = arith.addf %get3A_28, %get3A_33 : vector<2000x16xf32>
    %get3A_35 = arith.constant 0 : index
    %get3A_36 = arith.constant 0 : index
    %get3A_37 = vector.load %arg9[%get3A_35, %get3A_36] : memref<16x128xf32, #tpu.memory_space<vmem>>, vector<16x128xf32>
    %dot_general3A_38 = arith.constant dense<0.000000e+00> : vector<2000x128xf32>
    %dot_general3A_39 = tpu.matmul %add3A_34, %get3A_37, %dot_general3A_38 {dimension_numbers = #tpu.dot_dimension_numbers<[1], [0], [0], [1], [0, 0, 1, 1], [], []>, precision = #tpu.contract_precision<fp32>, transpose_lhs_hint = false} : vector<2000x16xf32>, vector<16x128xf32>, vector<2000x128xf32> -> vector<2000x128xf32>
    %add3A_40 = arith.addf %add3A_23, %dot_general3A_39 : vector<2000x128xf32>
    %get3A_41 = arith.constant 0 : index
    %get3A_42 = arith.constant 0 : index
    %get3A_43 = vector.load %arg10[%get3A_41, %get3A_42] : memref<1x128xf32, #tpu.memory_space<vmem>>, vector<1x128xf32>
    %add3A_44 = vector.broadcast %get3A_43 : vector<1x128xf32> to vector<2000x128xf32>
    %add3A_45 = arith.addf %add3A_40, %add3A_44 : vector<2000x128xf32>
    %gt3A = arith.constant 0.000000e+00 : f32
    %gt3A_46 = vector.broadcast %gt3A : f32 to vector<2000x128xf32>
    %gt3A_47 = arith.cmpf ogt, %add3A_45, %gt3A_46 : vector<2000x128xf32>
    %mul3A = arith.constant 0.00999999977 : f32
    %mul3A_48 = vector.broadcast %mul3A : f32 to vector<2000x128xf32>
    %mul3A_49 = arith.mulf %mul3A_48, %add3A_45 : vector<2000x128xf32>
    %select_n3A = arith.select %gt3A_47, %add3A_45, %mul3A_49 : vector<2000x128xi1>, vector<2000x128xf32>
    %get3A_50 = arith.constant 0 : index
    %get3A_51 = arith.constant 0 : index
    %get3A_52 = arith.constant 0 : index
    %get3A_53 = vector.load %arg6[%get3A_50, %get3A_51, %get3A_52] : memref<1x1x2000xi32, #tpu.memory_space<vmem>>, vector<1x1x2000xi32>
    %get3A_54 = vector.shape_cast %get3A_53 : vector<1x1x2000xi32> to vector<1x2000xi32>
    %iota3A = tpu.iota {dimensions = array<i32: 0>} : vector<64x2000xi32>
    %eq3A_55 = vector.broadcast %get3A_54 : vector<1x2000xi32> to vector<64x2000xi32>
    %eq3A_56 = arith.cmpi eq, %eq3A_55, %iota3A : vector<64x2000xi32>
    %convert_element_type3A_57 = arith.extui %eq3A_56 : vector<64x2000xi1> to vector<64x2000xi32>
    %convert_element_type3A_58 = arith.sitofp %convert_element_type3A_57 : vector<64x2000xi32> to vector<64x2000xf32>
    %get3A_59 = arith.constant 0 : index
    %get3A_60 = arith.constant 0 : index
    %get3A_61 = vector.load %arg14[%get3A_59, %get3A_60] : memref<64x128xf32, #tpu.memory_space<vmem>>, vector<64x128xf32>
    %dot_general3A_62 = arith.constant dense<0.000000e+00> : vector<64x128xf32>
    %dot_general3A_63 = tpu.matmul %convert_element_type3A_58, %select_n3A, %dot_general3A_62 {dimension_numbers = #tpu.dot_dimension_numbers<[1], [0], [0], [1], [0, 0, 1, 1], [], []>, precision = #tpu.contract_precision<fp32>, transpose_lhs_hint = false} : vector<64x2000xf32>, vector<2000x128xf32>, vector<64x128xf32> -> vector<64x128xf32>
    %add3A_64 = arith.addf %get3A_61, %dot_general3A_63 : vector<64x128xf32>
    %swap3A = arith.constant 0 : index
    %swap3A_65 = arith.constant 0 : index
    %swap3A_66 = vector.load %arg14[%swap3A, %swap3A_65] : memref<64x128xf32, #tpu.memory_space<vmem>>, vector<64x128xf32>
    tpu.vector_store %arg14[%swap3A, %swap3A_65], %add3A_64 {strides = array<i32>} : memref<64x128xf32, #tpu.memory_space<vmem>>, vector<64x128xf32>,
    %get3A_67 = arith.constant 0 : index
    %get3A_68 = arith.constant 0 : index
    %get3A_69 = vector.load %arg15[%get3A_67, %get3A_68] : memref<64x128xf32, #tpu.memory_space<vmem>>, vector<64x128xf32>
    %broadcast_in_dim3A = arith.constant 1.000000e+00 : f32
    %broadcast_in_dim3A_70 = vector.broadcast %broadcast_in_dim3A : f32 to vector<2000x128xf32>
    %dot_general3A_71 = arith.constant dense<0.000000e+00> : vector<64x128xf32>
    %dot_general3A_72 = tpu.matmul %convert_element_type3A_58, %broadcast_in_dim3A_70, %dot_general3A_71 {dimension_numbers = #tpu.dot_dimension_numbers<[1], [0], [0], [1], [0, 0, 1, 1], [], []>, precision = #tpu.contract_precision<fp32>, transpose_lhs_hint = false} : vector<64x2000xf32>, vector<2000x128xf32>, vector<64x128xf32> -> vector<64x128xf32>
    %add3A_73 = arith.addf %get3A_69, %dot_general3A_72 : vector<64x128xf32>
    %swap3A_74 = arith.constant 0 : index
    %swap3A_75 = arith.constant 0 : index
    %swap3A_76 = vector.load %arg15[%swap3A_74, %swap3A_75] : memref<64x128xf32, #tpu.memory_space<vmem>>, vector<64x128xf32>
    tpu.vector_store %arg15[%swap3A_74, %swap3A_75], %add3A_73 {strides = array<i32>} : memref<64x128xf32, #tpu.memory_space<vmem>>, vector<64x128xf32>,
    %eq3A_77 = arith.constant 4 : i32
    %eq3A_78 = arith.cmpi eq, %arg0, %eq3A_77 : i32
    %convert_element_type3A_79 = arith.extui %eq3A_78 : i1 to i32
    %cond3A_80 = arith.constant 0 : i32
    %cond3A_81 = arith.cmpi ne, %convert_element_type3A_79, %cond3A_80 : i32
    scf.if %cond3A_81 {
      %get3A_82 = arith.constant 0 : index
      %get3A_83 = arith.constant 0 : index
      %get3A_84 = vector.load %arg14[%get3A_82, %get3A_83] : memref<64x128xf32, #tpu.memory_space<vmem>>, vector<64x128xf32>
      %get3A_85 = arith.constant 0 : index
      %get3A_86 = arith.constant 0 : index
      %get3A_87 = vector.load %arg15[%get3A_85, %get3A_86] : memref<64x128xf32, #tpu.memory_space<vmem>>, vector<64x128xf32>
      %max3A = arith.constant 1.000000e+00 : f32
      %max3A_88 = vector.broadcast %max3A : f32 to vector<64x128xf32>
      %max3A_89 = arith.maximumf %get3A_87, %max3A_88 : vector<64x128xf32>
      %div3A = arith.divf %get3A_84, %max3A_89 : vector<64x128xf32>
      %mul3A_90 = arith.mulf %div3A, %div3A : vector<64x128xf32>
      %reduce_sum3A = arith.constant dense<0.000000e+00> : vector<64xf32>
      %reduce_sum3A_91 = vector.multi_reduction <add>, %mul3A_90, %reduce_sum3A [1] : vector<64x128xf32> to vector<64xf32>
      %broadcast_in_dim3A_92 = vector.shape_cast %reduce_sum3A_91 : vector<64xf32> to vector<64x1xf32>
      %sqrt3A = math.sqrt %broadcast_in_dim3A_92 : vector<64x1xf32>
      %max3A_93 = arith.constant 9.99999996E-13 : f32
      %max3A_94 = vector.broadcast %max3A_93 : f32 to vector<64x1xf32>
      %max3A_95 = arith.maximumf %sqrt3A, %max3A_94 : vector<64x1xf32>
      %div3A_96 = vector.broadcast %max3A_95 : vector<64x1xf32> to vector<64x128xf32>
      %div3A_97 = arith.divf %div3A, %div3A_96 : vector<64x128xf32>
      %convert_element_type3A_98 = arith.truncf %div3A_97 : vector<64x128xf32> to vector<64x128xbf16>
      %convert_element_type3A_99 = arith.extf %convert_element_type3A_98 : vector<64x128xbf16> to vector<64x128xf32>
      %get3A_100 = arith.constant 0 : index
      %get3A_101 = arith.constant 0 : index
      %get3A_102 = vector.load %arg11[%get3A_100, %get3A_101] : memref<1x128xf32, #tpu.memory_space<vmem>>, vector<1x128xf32>
      %convert_element_type3A_103 = arith.truncf %get3A_102 : vector<1x128xf32> to vector<1x128xbf16>
      %convert_element_type3A_104 = arith.extf %convert_element_type3A_103 : vector<1x128xbf16> to vector<1x128xf32>
      %mul3A_105 = vector.broadcast %convert_element_type3A_104 : vector<1x128xf32> to vector<64x128xf32>
      %mul3A_106 = arith.mulf %convert_element_type3A_99, %mul3A_105 : vector<64x128xf32>
      %reduce_sum3A_107 = arith.constant dense<0.000000e+00> : vector<64xf32>
      %reduce_sum3A_108 = vector.multi_reduction <add>, %mul3A_106, %reduce_sum3A_107 [1] : vector<64x128xf32> to vector<64xf32>
      %broadcast_in_dim3A_109 = vector.shape_cast %reduce_sum3A_108 : vector<64xf32> to vector<64x1xf32>
      %get3A_110 = arith.constant 0 : index
      %get3A_111 = arith.constant 0 : index
      %get3A_112 = vector.load %arg12[%get3A_110, %get3A_111] : memref<1x1xf32, #tpu.memory_space<vmem>>, vector<1x1xf32>
      %add3A_113 = vector.broadcast %get3A_112 : vector<1x1xf32> to vector<64x1xf32>
      %add3A_114 = arith.addf %broadcast_in_dim3A_109, %add3A_113 : vector<64x1xf32>
      %swap3A_115 = arith.constant 0 : index
      %swap3A_116 = arith.constant 0 : index
      %swap3A_117 = vector.load %arg13[%swap3A_115, %swap3A_116] : memref<64x1xf32, #tpu.memory_space<vmem>>, vector<64x1xf32>
      tpu.vector_store %arg13[%swap3A_115, %swap3A_116], %add3A_114 {strides = array<i32>} : memref<64x1xf32, #tpu.memory_space<vmem>>, vector<64x1xf32>,
    } else {
    }
    return
  }
  func.func @transform_0(%arg0: i32) -> (i32, i32) {
    %c0_i32 = arith.constant 0 : i32
    %c0_i32_0 = arith.constant 0 : i32
    return %arg0, %c0_i32 : i32, i32
  }
  func.func @transform_1(%arg0: i32) -> (i32, i32, i32) {
    %c0_i32 = arith.constant 0 : i32
    %c0_i32_0 = arith.constant 0 : i32
    %c0_i32_1 = arith.constant 0 : i32
    return %c0_i32, %arg0, %c0_i32_0 : i32, i32, i32
  }
  func.func @transform_2(%arg0: i32) -> (i32, i32, i32) {
    %c1_i32 = arith.constant 1 : i32
    %c0_i32 = arith.constant 0 : i32
    %c0_i32_0 = arith.constant 0 : i32
    return %c1_i32, %arg0, %c0_i32 : i32, i32, i32
  }
  func.func @transform_3(%arg0: i32) -> (i32, i32, i32) {
    %c0_i32 = arith.constant 0 : i32
    %c0_i32_0 = arith.constant 0 : i32
    %c0_i32_1 = arith.constant 0 : i32
    return %c0_i32, %arg0, %c0_i32_0 : i32, i32, i32
  }
  func.func @transform_4(%arg0: i32) -> (i32, i32, i32) {
    %c1_i32 = arith.constant 1 : i32
    %c0_i32 = arith.constant 0 : i32
    %c0_i32_0 = arith.constant 0 : i32
    return %c1_i32, %arg0, %c0_i32 : i32, i32, i32
  }
  func.func @transform_5(%arg0: i32) -> (i32, i32, i32) {
    %c0_i32 = arith.constant 0 : i32
    %c0_i32_0 = arith.constant 0 : i32
    %c0_i32_1 = arith.constant 0 : i32
    return %arg0, %c0_i32, %c0_i32_0 : i32, i32, i32
  }
  func.func @transform_6(%arg0: i32) -> (i32, i32) {
    %c0_i32 = arith.constant 0 : i32
    %c0_i32_0 = arith.constant 0 : i32
    %c0_i32_1 = arith.constant 0 : i32
    return %c0_i32, %c0_i32_0 : i32, i32
  }
  func.func @transform_7(%arg0: i32) -> (i32, i32) {
    %c0_i32 = arith.constant 0 : i32
    %c0_i32_0 = arith.constant 0 : i32
    %c0_i32_1 = arith.constant 0 : i32
    return %c0_i32, %c0_i32_0 : i32, i32
  }
  func.func @transform_8(%arg0: i32) -> (i32, i32) {
    %c0_i32 = arith.constant 0 : i32
    %c0_i32_0 = arith.constant 0 : i32
    %c0_i32_1 = arith.constant 0 : i32
    return %c0_i32, %c0_i32_0 : i32, i32
  }
  func.func @transform_9(%arg0: i32) -> (i32, i32) {
    %c0_i32 = arith.constant 0 : i32
    %c0_i32_0 = arith.constant 0 : i32
    %c0_i32_1 = arith.constant 0 : i32
    return %c0_i32, %c0_i32_0 : i32, i32
  }
  func.func @transform_10(%arg0: i32) -> (i32, i32) {
    %c0_i32 = arith.constant 0 : i32
    %c0_i32_0 = arith.constant 0 : i32
    %c0_i32_1 = arith.constant 0 : i32
    return %c0_i32, %c0_i32_0 : i32, i32
  }
  func.func @transform_11(%arg0: i32) -> (i32, i32) {
    %c0_i32 = arith.constant 0 : i32
    %c0_i32_0 = arith.constant 0 : i32
    %c0_i32_1 = arith.constant 0 : i32
    return %c0_i32, %c0_i32_0 : i32, i32
  }
  func.func @transform_12(%arg0: i32) -> (i32, i32) {
    %c0_i32 = arith.constant 0 : i32
    %c0_i32_0 = arith.constant 0 : i32
    %c0_i32_1 = arith.constant 0 : i32
    return %c0_i32, %c0_i32_0 : i32, i32
  }
}

</mosaic_0001>

<sc_bundles>
// kernel: kernel.6.cloned.1.call-start
scs
__scs_entry_jumppad:
0x0: {  	(pc) =	sbr.rel $0x88, $3  }
0x1: {  	(tag) =	ssettag $0x0;
	lr =	simm.s32 $0x1  }
0x2: {  	[smem:$0x3F97] =	sst lr;
	_ =	strace $0xD0000000  }
0x3: {  	_ = 	snop  }
0x4: {  	_ = 	snop  }
0x5: {  	_ = 	snop  }
0x6: {  	_ = 	snop  }
0x7: {  	_ = 	snop  }
__scs_overlays_trampoline_lowered:
0x8: {  	[smem:$0x3FA6] =	sst s0  }
0x9: {  	[smem:$0x3FA7] =	sst s1  }
0xa: {  	[smem:$0x3FA8] =	sst s2  }
0xb: {  	[smem:$0x3FA9] =	sst s3  }
0xc: {  	[smem:$0x3FAA] =	sst s4  }
0xd: {  	[smem:$0x3FAB] =	sst s5  }
0xe: {  	[smem:$0x3FAC] =	sst s6  }
0xf: {  	[smem:$0x3FAD] =	sst s7  }
0x10: {  	[smem:$0x3FAE] =	sst s8  }
0x11: {  	[smem:$0x3FAF] =	sst s9;
	s0 =	simm.s32 @!p0 $0x0  }
0x12: {  	s1 =	sld [smem:$0x3F95];
	s0 =	simm.s32 @p0 $0x1  }
0x13: {  	[smem:$0x3FB0] =	sst s0;
	s0 =	simm.s32 @!p1 $0x0  }
0x14: {  	s2 =	sld [smem:$0x3F94];
	s0 =	simm.s32 @p1 $0x1  }
0x15: {  	[smem:$0x3FB1] =	sst s0;
	s0 =	simm.s32 @!p2 $0x0  }
0x16: {  	s3 =	sld [smem:$0x3FDB];
	s0 =	simm.s32 @p2 $0x1  }
0x17: {  	s4 =	simm.s32 $0x1BF5;
	[smem:$0x3FB3] =	sst s0  }
0x18: {  	s0 =	sld [smem:$0x3F96];
	_ =	swait.ge [sflag:s4], $0x0  }
0x19: {  	s7 =	sld [smem:$0x3F97]  }
0x1a: {  	s8 =	sadd.s32 $0xFFFFE003, lr  }
0x1b: {  	s9 =	sadd.s32 $0xFFFFFEF7, lr;
	s5 =	simm.s32 $0xFFFFFFFF;
	p2 =	slt.u32 s8, $0xFFFFF086  }
0x1c: {  	p1 =	slt.u32 s9, $0xF7A;
	s5 =	simm.s32 @!p2 $0x0  }
0x1d: {  	s5 =	simm.s32 @p1 $0x1;
	p0 =	seq.s32 s7, s2  }
0x1e: {  	s7 =	smul.u32 @!p0 $0xF7A, s2;
	p2 =	seq.s32 @!p0 s5, $0x0  }
0x1f: {  	s9 =	smul.u32 $0xF7A, s1;
	s8 =	simm.s32 @!p0 $0x1BF5;
	p2 =	por !p2, p0  }
0x20: {  	[sflag:s8] =	ssyncset.s32 @!p0 $0xFFFFF086;
	s6 =	sadd.s32 @!p0 s3, s7;
	s7 =	simm.s32 @!p0 $0x108  }
0x21: {  	s3 =	sadd.s32 s3, s9;
	s6 =	sadd.s32 @!p0 $0x88, s6;
	s7 =	simm.s32 @p2 $0x1082  }
0x22: {  	[simem:s7], [sflag:s8] =	dma.local @!p0 [hbm:s6], $0xF7A  }
0x23: {  	s9 =	sor.u32 $0xD0000000, s2;
	s6 =	simm.s32 $0x108;
	_ =	swait.ge @!p0 [sflag:s8], $0x0  }
0x24: {  	s3 =	sadd.s32 $0x88, s3;
	s6 =	simm.s32 @!p1 $0x1082;
	[sflag:s4] =	ssyncset.s32 $0xFFFFF086  }
0x25: {  	[simem:s6], [sflag:s4] =	dma.local [hbm:s3], $0xF7A  }
0x26: {  	[smem:$0x3F97] =	sst s1;
	(tag) =	ssettag s2;
	_ =	strace s9  }
0x27: {  	s1 =	sld [smem:$0x3FA7]  }
0x28: {  	s2 =	sld [smem:$0x3FA8]  }
0x29: {  	s4 =	sld [smem:$0x3FAA]  }
0x2a: {  	p0 =	seq.s32 s5, $0x0;
	s5 =	sld [smem:$0x3FAB]  }
0x2b: {  	s6 =	sld [smem:$0x3FAC]  }
0x2c: {  	s7 =	sld [smem:$0x3FAD]  }
0x2d: {  	s3 =	simm.s32 $0x108;
	s8 =	sld [smem:$0x3FAE]  }
0x2e: {  	s3 =	simm.s32 @!p0 $0x1082;
	s9 =	sld [smem:$0x3FAF]  }
0x2f: {  	lr =	sadd.s32 s0, s3;
	s0 =	sld [smem:$0x3FA6]  }
0x30: {  	s3 =	sld [smem:$0x3FA9]  }
0x31: {  	[smem:$0x3FB2] =	sst s10  }
0x32: {  	s10 =	sld [smem:$0x3FB0];
	_ =	sdelay $0x3  }
0x33: {  	p0 =	seq.s32 s10, $0x1;
	s10 =	sld [smem:$0x3FB2];
	_ =	sdelay $0x3  }
0x34: {  	[smem:$0x3FB2] =	sst s10  }
0x35: {  	s10 =	sld [smem:$0x3FB1];
	_ =	sdelay $0x3  }
0x36: {  	p1 =	seq.s32 s10, $0x1;
	s10 =	sld [smem:$0x3FB2];
	_ =	sdelay $0x3  }
0x37: {  	[smem:$0x3FB2] =	sst s10  }
0x38: {  	s10 =	sld [smem:$0x3FB3]  }
0x39: {  	_ = 	snop;
	(pc) =	sbr.ind lr, $3  }
0x3a: {  	_ = 	snop  }
0x3b: {  	_ = 	snop  }
0x3c: {  	p2 =	seq.s32 s10, $0x1;
	s10 =	sld [smem:$0x3FB2]  }
0x3d: {  	_ =	shalt  }
0x3e: {  	_ =	shalt  }
0x3f: {  	_ =	shalt  }
0x40: {  	_ =	shalt  }
0x41: {  	_ =	shalt  }
0x42: {  	_ =	shalt  }
0x43: {  	_ =	shalt  }
0x44: {  	_ =	shalt  }
0x45: {  	_ =	shalt  }
0x46: {  	_ =	shalt  }
0x47: {  	_ =	shalt  }
0x48: {  	_ =	shalt  }
0x49: {  	_ =	shalt  }
0x4a: {  	_ =	shalt  }
0x4b: {  	_ =	shalt  }
0x4c: {  	_ =	shalt  }
0x4d: {  	_ =	shalt  }
0x4e: {  	_ =	shalt  }
0x4f: {  	_ =	shalt  }
0x50: {  	_ =	shalt  }
0x51: {  	_ =	shalt  }
0x52: {  	_ =	shalt  }
0x53: {  	_ =	shalt  }
0x54: {  	_ =	shalt  }
0x55: {  	_ =	shalt  }
0x56: {  	_ =	shalt  }
0x57: {  	_ =	shalt  }
0x58: {  	_ =	shalt  }
0x59: {  	_ =	shalt  }
0x5a: {  	_ =	shalt  }
0x5b: {  	_ =	shalt  }
0x5c: {  	_ =	shalt  }
0x5d: {  	_ =	shalt  }
0x5e: {  	_ =	shalt  }
0x5f: {  	_ =	shalt  }
0x60: {  	_ =	shalt  }
0x61: {  	_ =	shalt  }
0x62: {  	_ =	shalt  }
0x63: {  	_ =	shalt  }
0x64: {  	_ =	shalt  }
0x65: {  	_ =	shalt  }
0x66: {  	_ =	shalt  }
0x67: {  	_ =	shalt  }
0x68: {  	_ =	shalt  }
0x69: {  	_ =	shalt  }
0x6a: {  	_ =	shalt  }
0x6b: {  	_ =	shalt  }
0x6c: {  	_ =	shalt  }
0x6d: {  	_ =	shalt  }
0x6e: {  	_ =	shalt  }
0x6f: {  	_ =	shalt  }
0x70: {  	_ =	shalt  }
0x71: {  	_ =	shalt  }
0x72: {  	_ =	shalt  }
0x73: {  	_ =	shalt  }
0x74: {  	_ =	shalt  }
0x75: {  	_ =	shalt  }
0x76: {  	_ =	shalt  }
0x77: {  	_ =	shalt  }
0x78: {  	_ =	shalt  }
0x79: {  	_ =	shalt  }
0x7a: {  	_ =	shalt  }
0x7b: {  	_ =	shalt  }
0x7c: {  	_ =	shalt  }
0x7d: {  	_ =	shalt  }
0x7e: {  	_ =	shalt  }
0x7f: {  	_ =	shalt  }
0x80: {  	_ =	shalt  }
0x81: {  	_ =	shalt  }
0x82: {  	_ =	shalt  }
0x83: {  	_ =	shalt  }
0x84: {  	_ =	shalt  }
0x85: {  	_ =	shalt  }
0x86: {  	_ =	shalt  }
0x87: {  	_ =	shalt  }
.Lfunc_end0:
.L_simem_size_0:
called_computation_lowered:
.L_overlay_start_0:
0x88: {  	s2 =	sld [smem:$0x3FD9]  }
0x89: {  	s3 =	sld [smem:$0x3FFE];
	_ =	sdelay $0x1  }
0x8a: {  	s1 =	srdreg.scid  }
0x8b: {  	s0 =	sand.u32 $0x1, s1  }
0x8c: {  	s17 =	sshll.u32 s0, $0xA;
	s2 =	sadd.s32 s3, s2  }
0x8d: {  	s2 =	sadd.s32 s2, s17  }
0x8e: {  	[smem:$0x3FBE] =	sst s2  }
0x8f: {  	_ = 	snop  }
0x90: {  	s2 =	sld [smem:$0x3FC9];
	(tm) =	ssettm $0x1  }
0x91: {  	s18 =	sld [smem:$0x3FFB];
	_ =	sdelay $0x3  }
0x92: {  	_ =	strace s18  }
0x93: {  	s3 =	sld [smem:$0x3FFC];
	_ =	sdelay $0x3  }
0x94: {  	_ =	strace s3  }
0x95: {  	s3 =	sld [smem:$0x3FFD];
	_ =	sdelay $0x3  }
0x96: {  	_ =	strace s3  }
0x97: {  	_ =	strace $0x8FFFFFFF  }
0x98: {  	s19 =	sld [smem:$0x3FDB];
	_ =	sdelay $0x1  }
0x99: {  	s4 =	simm.s32 $_scs_section_size  }
0x9a: {  	s5 =	simm.s32 $_size__tile_overlayer_lowered;
	s6 =	simm.s32 $_tile_overlayer_lowered  }
0x9b: {  	s22 =	simm.s32 $0x1BFF;
	s21 =	sshll.u32 s6, $0x1;
	s3 =	sadd.s32 s4, s19  }
0x9c: {  	s7 =	simm.s32 $0x0;
	s20 =	sshll.u32 s5, $0x1;
	s5 =	sadd.s32 s21, s3  }
0x9d: {  	[timem:s7], [sflag:s22] =	dma.local [hbm:s5], s20  }
0x9e: {  	_ =	swait.ge [sflag:s22], s20  }
0x9f: {  	s4 =	ssub.s32 $0x0, s20;
	[sflag:s22] =	ssyncset.done $0x0  }
0xa0: {  	[sflag:s22] =	ssyncadd.s32 s4;
	_ =	sdelay $0x1  }
0xa1: {  	s23 =	simm.s32 $0x1B8B  }
0xa2: {  	_ =	swait.ge [sflag:s23], $0x1  }
0xa3: {  	[sflag:s23] =	ssyncset.done $0x0  }
0xa4: {  	s25 =	simm.s32 $0x1B8E;
	s24 =	sld [smem:$0x3FFE];
	[sflag:s23] =	ssyncadd.s32 $0xFFFFFFFF  }
0xa5: {  	s26 =	simm.s32 $execute0_lowered;
	[smem:$0x3FD2] =	sst s25  }
0xa6: {  	s5 =	sshll.u32 s26, $0x1;
	_ =	strace $0x80000046;
	[dreg:$0x1] =	wrdreg $0xFFFFFFFF  }
0xa7: {  	s28 =	simm.s32 $_size_execute0_lowered;
	s3 =	sadd.s32 s3, s5;
	[dreg:$0x0] =	wrdreg $0x0  }
0xa8: {  	s5 =	sshll.u32 s28, $0x1;
	[dreg:$0x2] =	wrdreg s3  }
0xa9: {  	[dreg:$0x3] =	wrdreg s5  }
0xaa: {  	[dreg:$0x4] =	wrdreg $0xC0  }
0xab: {  	_ =	task [dreg:s7], $0x5FFFF  }
0xac: {  	[dreg:$0x1] =	wrdreg $0xFFFFFFFF  }
0xad: {  	[dreg:$0x0] =	wrdreg $0x60  }
0xae: {  	[dreg:$0x2] =	wrdreg s2  }
0xaf: {  	[dreg:$0x3] =	wrdreg s24  }
0xb0: {  	[dreg:$0x4] =	wrdreg $0xA0000  }
0xb1: {  	[dreg:$0x5] =	wrdreg $0x9  }
0xb2: {  	_ =	task.clear_ibuf [dreg:s7], $0x6FFFF;
	_ =	strace $0x90000046  }
0xb3: {  	s29 =	simm.s32 $0x9;
	_ =	strace $0x80000048  }
0xb4: {  	_ =	swait.ge [sflag:s29], $0x1  }
0xb5: {  	[sflag:s29] =	ssyncadd.s32 $0xFFFFFFFF  }
0xb6: {  	_ =	strace $0x90000048  }
0xb7: {  	_ =	sfence  }
0xb8: {  	s30 =	sld [smem:$0x0];
	_ =	sdelay $0x2  }
0xb9: {  	s31 =	sshll.u32 s1, $0xD;
	s1 =	sshrl.u32 s1, $0x2  }
0xba: {  	s3 =	sand.u32 $0x4000, s31;
	s1 =	sadd.s32 s1, s30  }
0xbb: {  	s0 =	sor.u32 s3, s0;
	s1 =	sshll.u32 s1, $0x11  }
0xbc: {  	s0 =	sor.u32 s1, s0  }
0xbd: {  	s0 =	sadd.s32 $0x8F2B, s0  }
0xbe: {  	[sflag:s0] =	ssyncadd.remote.s32 $0x1  }
0xbf: {  	_ =	sfence.sel $0xFFFF  }
0xc0: {  	[dreg:$0x0] =	wrdreg $0xFFFFFFFF;
	(pc) =	sbr.abs _section_cstart, $3  }
0xc1: {  	[dreg:$0x1] =	wrdreg $0xFFFFFFFF  }
0xc2: {  	_ =	task.clear_ibuf [dreg:s7], $0x2FFFF;
	_ =	strace $0x9FFFFFFF  }
0xc3: {  	(tm) =	ssettm $0x7FFFFFFF  }
tec
execute0_lowered:
.L_overlay_start_1:
0x0: {  	(tag) =	ssettag $0x1  }
0x1: {  	s1 =	rddreg [dreg:$0x0]  }
0x2: {  	s0 =	rddreg [dreg:$0x1]  }
0x3: {  	s2 =	rddreg [dreg:$0x2];
	s3 =	srdreg.scid;
	s4 =	simm.s32 $0x0  }
0x4: {  	s20 =	stileid.u32;
	s30 =	simm.s32 $0x6;
	s31 =	simm.s32 $0x3  }
0x5: {  	s3 =	sand.u32 $0x1, s3;
	s7 =	smul.u32 $0x14000, s20;
	s8 =	sadd.s32 $0x17600, s0  }
0x6: {  	[smem:$0x7FF] =	sst s4;
	s5 =	sshll.u32 s3, $0x4;
	s6 =	ssub.s32 $0x2, s3  }
0x7: {  	s5 =	sor.u32 s20, s5;
	s9 =	sshrl.u32 s6, $0x1;
	s10 =	sor.u32 $0x2800, s7  }
0x8: {  	s11 =	sadd.s32 $0x5000, s7;
	s12 =	sadd.s32 $0x7800, s7;
	s14 =	sadd.s32 $0xA000, s7  }
0x9: {  	s15 =	sadd.s32 $0xC800, s7;
	s6 =	ssub.s32 s6, s9;
	s9 =	smul.u32 $0x140000, s3  }
0xa: {  	s16 =	sadd.s32 $0xF000, s7;
	s17 =	sadd.s32 $0x11800, s7;
	s5 =	smul.u32 $0x2710, s5  }
0xb: {  	s3 =	smul.u32 $0x27100, s3;
	s13 =	sadd.s32 s9, s7;
	s18 =	sadd.s32 s9, s10  }
0xc: {  	s19 =	sadd.s32 s9, s11;
	s22 =	sadd.s32 s9, s12;
	s23 =	sadd.s32 s9, s14  }
0xd: {  	s24 =	sadd.s32 s9, s15;
	s5 =	sshrl.u32 s5, $0x3;
	s13 =	sshrl.u32 s13, $0x3  }
0xe: {  	s7 =	sadd.s32 s7, s2;
	s18 =	sshrl.u32 s18, $0x3;
	s13 =	sadd.s32 s8, s13  }
0xf: {  	s19 =	sshrl.u32 s19, $0x3;
	s18 =	sadd.s32 s8, s18;
	[dreg:$0x4] =	wrdreg s13  }
0x10: {  	s21 =	sadd.s32 s8, s19;
	s19 =	sshrl.u32 s24, $0x3;
	[dreg:$0x5] =	wrdreg s18  }
0x11: {  	[dreg:$0x6] =	wrdreg s21;
	s26 =	sadd.s32 s8, s19;
	s19 =	smul.u32 $0x2710, s20  }
0x12: {  	s13 =	sshrl.u32 s22, $0x3;
	s18 =	sshrl.u32 s23, $0x3;
	s21 =	smul.u32 $0x50000, s20  }
0x13: {  	s22 =	sadd.s32 s5, s0;
	s13 =	sadd.s32 s8, s13;
	s25 =	sadd.s32 s8, s18  }
0x14: {  	[dreg:$0x9] =	wrdreg s26;
	s18 =	sadd.s32 s9, s16;
	s9 =	sadd.s32 s9, s17  }
0x15: {  	s23 =	sadd.s32 $0xD800, s22;
	s22 =	sadd.s32 s11, s2;
	[dreg:$0x7] =	wrdreg s13  }
0x16: {  	s11 =	sadd.s32 s14, s2;
	[dreg:$0x8] =	wrdreg s25;
	s13 =	sshrl.u32 s18, $0x3  }
0x17: {  	s9 =	sshrl.u32 s9, $0x3;
	s3 =	sadd.s32 s19, s3;
	s13 =	sadd.s32 s8, s13  }
0x18: {  	s26 =	sshrl.u32 s21, $0x2;
	s8 =	sadd.s32 s8, s9;
	[dreg:$0xa] =	wrdreg s13  }
0x19: {  	s21 =	sadd.s32 s10, s2;
	s10 =	sadd.s32 s12, s2;
	[dreg:$0xb] =	wrdreg s8  }
0x1a: {  	s12 =	sadd.s32 s15, s2;
	_ =	strace $0x80000047;
	[dreg:$0xc] =	wrdreg s23  }
0x1b: {  	s15 =	sadd.s32 s16, s2;
	s8 =	smax.u32 s6, $0x1;
	[dreg:$0xe] =	wrdreg s7  }
0x1c: {  	s13 =	sadd.s32 $0x3A00, s0;
	s0 =	sadd.s32 s26, s2;
	[dreg:$0xf] =	wrdreg s8  }
0x1d: {  	s25 =	sadd.s32 s17, s2;
	s17 =	simm.s32 $0x5;
	[dreg:$0x10] =	wrdreg s0  }
0x1e: {  	s14 =	sadd.s32 $0x190, s3;
	s16 =	sadd.s32 $0x140, s3;
	[dreg:$0x11] =	wrdreg s10  }
0x1f: {  	s29 =	sadd.s32 $0xF0, s3;
	s9 =	simm.s32 $0x2760;
	[dreg:$0x12] =	wrdreg s11  }
0x20: {  	s18 =	sshrl.u32 s16, $0x3;
	s6 =	simm.s32 $0x7;
	[dreg:$0x13] =	wrdreg s12  }
0x21: {  	s16 =	simm.s32 $0x1;
	s24 =	sadd.s32 s13, s5;
	[dreg:$0x14] =	wrdreg s15  }
0x22: {  	s0 =	sshrl.u32 s14, $0x3;
	s28 =	sadd.s32 s18, s13;
	s5 =	simm.s32 $0x2800  }
0x23: {  	s7 =	simm.s32 $0x2710;
	s8 =	simm.s32 $0x50;
	s10 =	simm.s32 $0x5000  }
0x24: {  	s11 =	simm.s32 $0x27B0;
	s19 =	sadd.s32 $0xA, s24;
	[dreg:$0xd] =	wrdreg s24  }
0x25: {  	s12 =	simm.s32 $0x7800;
	s20 =	sadd.s32 $0x14, s24;
	[dreg:$0x15] =	wrdreg s19  }
0x26: {  	s14 =	simm.s32 $0x4;
	s23 =	sadd.s32 $0x4CE, s24;
	[dreg:$0x16] =	wrdreg s20  }
0x27: {  	s18 =	simm.s32 $0x2;
	s24 =	sadd.s32 $0x4D8, s24;
	[dreg:$0x17] =	wrdreg s23  }
0x28: {  	v0 =	vimm.f32 $0.0e+00;
	s26 =	sadd.s32 s0, s13;
	s0 =	simm.s32 $0x0;
	[dreg:$0x18] =	wrdreg s24  }
.LBB2_1:
0x29: {  	s3 =	sand.u32 $0xFE00, s4  }
0x2a: {  	s15 =	sand.u32 $0x70, s4;
	s19 =	sshrl.u32 s3, $0x2  }
0x2b: {  	s3 =	simm.s32 $0x40;
	s19 =	sor.u32 s15, s19;
	s15 =	simm.s32 $0x0  }
.LBB2_2:
0x2c: {  	p0 =	sne.s32 s3, $0x9FC0  }
0x2d: {  	[tilespmem:s19+$0x2800] =	vst v0;
	s15 =	sadd.s32 $0x10, s15;
	s19 =	smov.u32 s3;
	s3 =	sadd.s32 $0x40, s3  }
.Ltmp0:
0x2e: {  	(pc) =	sbr.rel @p0 .LBB2_2-.Ltmp0, $4  }
0x2f: {  	_ = 	snop  }
0x30: {  	s19 =	sand.u32 $0xFE00, s19  }
0x31: {  	s20 =	sand.u32 $0x70, s15;
	s19 =	sshrl.u32 s19, $0x2  }
0x32: {  	s19 =	sor.u32 s20, s19  }
0x33: {  	[tilespmem:s19+$0x2800] =	vst v0;
	s3 =	rddreg [dreg:$0x10]  }
0x34: {  	[spmem:s3] =	stream.linear.scatter [tilespmem:s5], [sflag:$0x7], $0x2800, $0x38;
	[tilespmem:$0x1E000] =	vst v63  }
0x35: {  	_ =	swait.ge [sflag:s6], $0x2800  }
0x36: {  	[sflag:s6] =	ssyncset.done $0x0  }
0x37: {  	[sflag:s6] =	ssyncadd.s32 $0xFFFFD800  }
0x38: {  	[spmem:s21] =	stream.linear.scatter [tilespmem:s5], [sflag:$0x7], $0x2800, $0x38;
	[tilespmem:$0x1E000] =	vst v63  }
0x39: {  	_ =	swait.ge [sflag:s6], $0x2800  }
0x3a: {  	[sflag:s6] =	ssyncset.done $0x0  }
0x3b: {  	[sflag:s6] =	ssyncadd.s32 $0xFFFFD800  }
0x3c: {  	[spmem:s22] =	stream.linear.scatter [tilespmem:s5], [sflag:$0x7], $0x2800, $0x38;
	[tilespmem:$0x1E000] =	vst v63  }
0x3d: {  	_ =	swait.ge [sflag:s6], $0x2800  }
0x3e: {  	[sflag:s6] =	ssyncset.done $0x0  }
0x3f: {  	s20 =	rddreg [dreg:$0x11];
	[sflag:s6] =	ssyncadd.s32 $0xFFFFD800  }
0x40: {  	[spmem:s20] =	stream.linear.scatter [tilespmem:s5], [sflag:$0x7], $0x2800, $0x38;
	[tilespmem:$0x1E000] =	vst v63  }
0x41: {  	_ =	swait.ge [sflag:s6], $0x2800  }
0x42: {  	[sflag:s6] =	ssyncset.done $0x0  }
0x43: {  	s23 =	smov.u32 s21;
	s21 =	rddreg [dreg:$0x12];
	[sflag:s6] =	ssyncadd.s32 $0xFFFFD800  }
0x44: {  	[spmem:s21] =	stream.linear.scatter [tilespmem:s5], [sflag:$0x7], $0x2800, $0x38;
	[tilespmem:$0x1E000] =	vst v63  }
0x45: {  	_ =	swait.ge [sflag:s6], $0x2800  }
0x46: {  	[sflag:s6] =	ssyncset.done $0x0  }
0x47: {  	s24 =	smov.u32 s22;
	s22 =	rddreg [dreg:$0x13];
	[sflag:s6] =	ssyncadd.s32 $0xFFFFD800  }
0x48: {  	[spmem:s22] =	stream.linear.scatter [tilespmem:s5], [sflag:$0x7], $0x2800, $0x38;
	[tilespmem:$0x1E000] =	vst v63  }
0x49: {  	_ =	swait.ge [sflag:s6], $0x2800  }
0x4a: {  	[sflag:s6] =	ssyncset.done $0x0  }
0x4b: {  	s15 =	rddreg [dreg:$0x14];
	[sflag:s6] =	ssyncadd.s32 $0xFFFFD800  }
0x4c: {  	[spmem:s15] =	stream.linear.scatter [tilespmem:s5], [sflag:$0x7], $0x2800, $0x38;
	[tilespmem:$0x1E000] =	vst v63  }
0x4d: {  	_ =	swait.ge [sflag:s6], $0x2800  }
0x4e: {  	[sflag:s6] =	ssyncset.done $0x0  }
0x4f: {  	[sflag:s6] =	ssyncadd.s32 $0xFFFFD800  }
0x50: {  	[spmem:s25] =	stream.linear.scatter [tilespmem:s5], [sflag:$0x7], $0x2800, $0x38;
	[tilespmem:$0x1E000] =	vst v63  }
0x51: {  	_ =	swait.ge [sflag:s6], $0x2800  }
0x52: {  	[sflag:s6] =	ssyncset.done $0x0  }
0x53: {  	[sflag:s6] =	ssyncadd.s32 $0xFFFFD800  }
0x54: {  	[bflag:$0x0] =	sbarrier.arrive $0xFFFF  }
0x55: {  	s19 =	simm.s32 $0x0;
	s15 =	rddreg [dreg:$0xc]  }
0x56: {  	[tilespmem:s19], [sflag:$0x7] =	stream.linear.gather [hbm4b:s15+s19], $0x2710, $0x38;
	[tilespmem:$0x1E000] =	vst v63  }
0x57: {  	_ =	swait.ge [sflag:s6], $0x2710  }
0x58: {  	[sflag:s6] =	ssyncset.done $0x0  }
0x59: {  	s20 =	rddreg [dreg:$0xd];
	[sflag:s6] =	ssyncadd.s32 $0xFFFFD8F0  }
0x5a: {  	[tilespmem:s7], [sflag:$0x1] =	stream.linear.gather [hbm4b:s20+s19], $0x50, $0x38;
	[tilespmem:$0x1E000] =	vst v63  }
0x5b: {  	_ = 	snop  }
0x5c: {  	[tilespmem:s5], [sflag:$0x4] =	stream.indirect.gather [hbm4b:s1+s8], $0x80, s19, s8, $0xb8;
	[tilespmem:$0x1E000] =	vst v63  }
0x5d: {  	s21 =	rddreg [dreg:$0x15]  }
0x5e: {  	[tilespmem:s9], [sflag:$0x2] =	stream.linear.gather [hbm4b:s21+s19], $0x50, $0x38;
	[tilespmem:$0x1E000] =	vst v63  }
0x5f: {  	_ = 	snop  }
0x60: {  	[tilespmem:s10], [sflag:$0x5] =	stream.indirect.gather [hbm4b:s1+s8], $0x80, s8, s8, $0xb8;
	[tilespmem:$0x1E000] =	vst v63  }
0x61: {  	s22 =	rddreg [dreg:$0x16]  }
0x62: {  	[tilespmem:s11], [sflag:$0x3] =	stream.linear.gather [hbm4b:s22+s19], $0x50, $0x38;
	[tilespmem:$0x1E000] =	vst v63  }
0x63: {  	s19 =	simm.s32 $0xA0  }
0x64: {  	[tilespmem:s12], [sflag:$0x6] =	stream.indirect.gather [hbm4b:s1+s8], $0x80, s19, s8, $0xb8;
	[tilespmem:$0x1E000] =	vst v63  }
0x65: {  	_ =	swait.ge [sflag:s14], $0x2800  }
0x66: {  	[sflag:s14] =	ssyncset.done $0x0  }
0x67: {  	[sflag:s14] =	ssyncadd.s32 $0xFFFFD800  }
0x68: {  	_ =	swait.ge [sflag:s16], $0x50  }
0x69: {  	[sflag:s16] =	ssyncset.done $0x0  }
0x6a: {  	[sflag:s16] =	ssyncadd.s32 $0xFFFFFFB0  }
0x6b: {  	[spmem:s2] =	stream.indirect.scatter.add.f32 [tilespmem:s5], [sflag:$0x7], $0x80, s7, s8, $0xb8;
	[tilespmem:$0x1E000] =	vst v63  }
0x6c: {  	_ =	swait.ge [sflag:s6], $0x2800  }
0x6d: {  	s20 =	sshrl.u32 s29, $0x3;
	[sflag:s6] =	ssyncset.done $0x0  }
0x6e: {  	s3 =	sadd.s32 s13, s20;
	[sflag:s6] =	ssyncadd.s32 $0xFFFFD800  }
0x6f: {  	[tilespmem:s7], [sflag:$0x1] =	stream.linear.gather [hbm4b:s3+s4], $0x50, $0x38;
	[tilespmem:$0x1E000] =	vst v63  }
0x70: {  	s21 =	simm.s32 $0xF0  }
0x71: {  	[tilespmem:s5], [sflag:$0x4] =	stream.indirect.gather [hbm4b:s1+s8], $0x80, s21, s8, $0xb8;
	[tilespmem:$0x1E000] =	vst v63  }
0x72: {  	_ =	swait.ge [sflag:s17], $0x2800  }
0x73: {  	[sflag:s17] =	ssyncset.done $0x0  }
0x74: {  	[sflag:s17] =	ssyncadd.s32 $0xFFFFD800  }
0x75: {  	_ =	swait.ge [sflag:s18], $0x50  }
0x76: {  	[sflag:s18] =	ssyncset.done $0x0  }
0x77: {  	[sflag:s18] =	ssyncadd.s32 $0xFFFFFFB0  }
0x78: {  	[spmem:s2] =	stream.indirect.scatter.add.f32 [tilespmem:s10], [sflag:$0x7], $0x80, s9, s8, $0xb8;
	[tilespmem:$0x1E000] =	vst v63  }
0x79: {  	_ =	swait.ge [sflag:s6], $0x2800  }
0x7a: {  	[sflag:s6] =	ssyncset.done $0x0  }
0x7b: {  	[sflag:s6] =	ssyncadd.s32 $0xFFFFD800  }
0x7c: {  	[tilespmem:s9], [sflag:$0x2] =	stream.linear.gather [hbm4b:s28+s4], $0x50, $0x38;
	[tilespmem:$0x1E000] =	vst v63  }
0x7d: {  	s22 =	simm.s32 $0x140  }
0x7e: {  	[tilespmem:s10], [sflag:$0x5] =	stream.indirect.gather [hbm4b:s1+s8], $0x80, s22, s8, $0xb8;
	[tilespmem:$0x1E000] =	vst v63  }
0x7f: {  	_ =	swait.ge [sflag:s30], $0x2800  }
0x80: {  	[sflag:s30] =	ssyncset.done $0x0  }
0x81: {  	[sflag:s30] =	ssyncadd.s32 $0xFFFFD800  }
0x82: {  	_ =	swait.ge [sflag:s31], $0x50  }
0x83: {  	[sflag:s31] =	ssyncset.done $0x0  }
0x84: {  	[sflag:s31] =	ssyncadd.s32 $0xFFFFFFB0  }
0x85: {  	[spmem:s2] =	stream.indirect.scatter.add.f32 [tilespmem:s12], [sflag:$0x7], $0x80, s11, s8, $0xb8;
	[tilespmem:$0x1E000] =	vst v63  }
0x86: {  	s15 =	sadd.s32 $0xF0, s29;
	_ =	swait.ge [sflag:s6], $0x2800  }
0x87: {  	s20 =	sadd.s32 $0x1E, s28;
	s19 =	sadd.s32 $0x1E, s26;
	[sflag:s6] =	ssyncset.done $0x0  }
0x88: {  	s3 =	simm.s32 $0x3C0;
	s21 =	simm.s32 $0x190;
	[sflag:s6] =	ssyncadd.s32 $0xFFFFD800  }
0x89: {  	[tilespmem:s11], [sflag:$0x3] =	stream.linear.gather [hbm4b:s26+s4], $0x50, $0x38;
	[tilespmem:$0x1E000] =	vst v63  }
.LBB2_4:
0x8a: {  	[tilespmem:s12], [sflag:$0x6] =	stream.indirect.gather [hbm4b:s1+s8], $0x80, s21, s8, $0xb8;
	[tilespmem:$0x1E000] =	vst v63  }
0x8b: {  	s21 =	smov.u32 s3  }
0x8c: {  	p0 =	sne.s32 s3, $0x9240;
	s3 =	sadd.s32 $0x3C0, s3;
	_ =	swait.ge [sflag:s14], $0x2800  }
0x8d: {  	[sflag:s14] =	ssyncset.done $0x0  }
0x8e: {  	[sflag:s14] =	ssyncadd.s32 $0xFFFFD800  }
0x8f: {  	_ =	swait.ge [sflag:s16], $0x50  }
0x90: {  	[sflag:s16] =	ssyncset.done $0x0  }
0x91: {  	[sflag:s16] =	ssyncadd.s32 $0xFFFFFFB0  }
0x92: {  	[spmem:s2] =	stream.indirect.scatter.add.f32 [tilespmem:s5], [sflag:$0x7], $0x80, s7, s8, $0xb8;
	[tilespmem:$0x1E000] =	vst v63  }
0x93: {  	_ =	swait.ge [sflag:s6], $0x2800  }
0x94: {  	s22 =	sshrl.u32 s15, $0x3;
	[sflag:s6] =	ssyncset.done $0x0  }
0x95: {  	s22 =	sadd.s32 s13, s22;
	s21 =	sshra.s32 s21, $0x2;
	[sflag:s6] =	ssyncadd.s32 $0xFFFFD800  }
0x96: {  	[tilespmem:s7], [sflag:$0x1] =	stream.linear.gather [hbm4b:s22+s4], $0x50, $0x38;
	[tilespmem:$0x1E000] =	vst v63  }
0x97: {  	s22 =	sadd.s32 $0xF0, s21  }
0x98: {  	[tilespmem:s5], [sflag:$0x4] =	stream.indirect.gather [hbm4b:s1+s8], $0x80, s22, s8, $0xb8;
	[tilespmem:$0x1E000] =	vst v63  }
0x99: {  	_ =	swait.ge [sflag:s17], $0x2800  }
0x9a: {  	[sflag:s17] =	ssyncset.done $0x0  }
0x9b: {  	[sflag:s17] =	ssyncadd.s32 $0xFFFFD800  }
0x9c: {  	_ =	swait.ge [sflag:s18], $0x50  }
0x9d: {  	[sflag:s18] =	ssyncset.done $0x0  }
0x9e: {  	[sflag:s18] =	ssyncadd.s32 $0xFFFFFFB0  }
0x9f: {  	[spmem:s2] =	stream.indirect.scatter.add.f32 [tilespmem:s10], [sflag:$0x7], $0x80, s9, s8, $0xb8;
	[tilespmem:$0x1E000] =	vst v63  }
0xa0: {  	_ =	swait.ge [sflag:s6], $0x2800  }
0xa1: {  	[sflag:s6] =	ssyncset.done $0x0  }
0xa2: {  	[sflag:s6] =	ssyncadd.s32 $0xFFFFD800  }
0xa3: {  	[tilespmem:s9], [sflag:$0x2] =	stream.linear.gather [hbm4b:s20+s4], $0x50, $0x38;
	[tilespmem:$0x1E000] =	vst v63  }
0xa4: {  	s22 =	sadd.s32 $0x140, s21  }
0xa5: {  	[tilespmem:s10], [sflag:$0x5] =	stream.indirect.gather [hbm4b:s1+s8], $0x80, s22, s8, $0xb8;
	[tilespmem:$0x1E000] =	vst v63  }
0xa6: {  	_ =	swait.ge [sflag:s30], $0x2800  }
0xa7: {  	[sflag:s30] =	ssyncset.done $0x0  }
0xa8: {  	[sflag:s30] =	ssyncadd.s32 $0xFFFFD800  }
0xa9: {  	_ =	swait.ge [sflag:s31], $0x50  }
0xaa: {  	[sflag:s31] =	ssyncset.done $0x0  }
0xab: {  	[sflag:s31] =	ssyncadd.s32 $0xFFFFFFB0  }
0xac: {  	[spmem:s2] =	stream.indirect.scatter.add.f32 [tilespmem:s12], [sflag:$0x7], $0x80, s11, s8, $0xb8;
	[tilespmem:$0x1E000] =	vst v63  }
.Ltmp1:
0xad: {  	_ =	swait.ge [sflag:s6], $0x2800;
	(pc) =	sbr.rel @p0 .LBB2_4-.Ltmp1, $4  }
0xae: {  	[sflag:s6] =	ssyncset.done $0x0  }
0xaf: {  	s15 =	sadd.s32 $0xF0, s15;
	[sflag:s6] =	ssyncadd.s32 $0xFFFFD800  }
0xb0: {  	[tilespmem:s11], [sflag:$0x3] =	stream.linear.gather [hbm4b:s19+s4], $0x50, $0x38;
	[tilespmem:$0x1E000] =	vst v63  }
0xb1: {  	s21 =	sadd.s32 $0x190, s21;
	s20 =	sadd.s32 $0x1E, s20;
	s19 =	sadd.s32 $0x1E, s19  }
0xb2: {  	[tilespmem:s12], [sflag:$0x6] =	stream.indirect.gather [hbm4b:s1+s8], $0x80, s21, s8, $0xb8;
	[tilespmem:$0x1E000] =	vst v63  }
0xb3: {  	_ =	swait.ge [sflag:s14], $0x2800  }
0xb4: {  	[sflag:s14] =	ssyncset.done $0x0  }
0xb5: {  	[sflag:s14] =	ssyncadd.s32 $0xFFFFD800  }
0xb6: {  	_ =	swait.ge [sflag:s16], $0x50  }
0xb7: {  	[sflag:s16] =	ssyncset.done $0x0  }
0xb8: {  	[sflag:s16] =	ssyncadd.s32 $0xFFFFFFB0  }
0xb9: {  	[spmem:s2] =	stream.indirect.scatter.add.f32 [tilespmem:s5], [sflag:$0x7], $0x80, s7, s8, $0xb8;
	[tilespmem:$0x1E000] =	vst v63  }
0xba: {  	_ =	swait.ge [sflag:s6], $0x2800  }
0xbb: {  	[sflag:s6] =	ssyncset.done $0x0  }
0xbc: {  	s3 =	rddreg [dreg:$0x17];
	[sflag:s6] =	ssyncadd.s32 $0xFFFFD800  }
0xbd: {  	[tilespmem:s7], [sflag:$0x1] =	stream.linear.gather [hbm4b:s3+s4], $0x50, $0x38;
	[tilespmem:$0x1E000] =	vst v63  }
0xbe: {  	s15 =	simm.s32 $0x2670  }
0xbf: {  	[tilespmem:s5], [sflag:$0x4] =	stream.indirect.gather [hbm4b:s1+s8], $0x80, s15, s8, $0xb8;
	[tilespmem:$0x1E000] =	vst v63  }
0xc0: {  	_ =	swait.ge [sflag:s17], $0x2800  }
0xc1: {  	[sflag:s17] =	ssyncset.done $0x0  }
0xc2: {  	[sflag:s17] =	ssyncadd.s32 $0xFFFFD800  }
0xc3: {  	_ =	swait.ge [sflag:s18], $0x50  }
0xc4: {  	[sflag:s18] =	ssyncset.done $0x0  }
0xc5: {  	[sflag:s18] =	ssyncadd.s32 $0xFFFFFFB0  }
0xc6: {  	[spmem:s2] =	stream.indirect.scatter.add.f32 [tilespmem:s10], [sflag:$0x7], $0x80, s9, s8, $0xb8;
	[tilespmem:$0x1E000] =	vst v63  }
0xc7: {  	_ =	swait.ge [sflag:s6], $0x2800  }
0xc8: {  	[sflag:s6] =	ssyncset.done $0x0  }
0xc9: {  	s19 =	rddreg [dreg:$0x18];
	[sflag:s6] =	ssyncadd.s32 $0xFFFFD800  }
0xca: {  	[tilespmem:s9], [sflag:$0x2] =	stream.linear.gather [hbm4b:s19+s4], $0x50, $0x38;
	[tilespmem:$0x1E000] =	vst v63  }
0xcb: {  	s20 =	simm.s32 $0x26C0  }
0xcc: {  	[tilespmem:s10], [sflag:$0x5] =	stream.indirect.gather [hbm4b:s1+s8], $0x80, s20, s8, $0xb8;
	[tilespmem:$0x1E000] =	vst v63  }
0xcd: {  	_ =	swait.ge [sflag:s30], $0x2800  }
0xce: {  	[sflag:s30] =	ssyncset.done $0x0  }
0xcf: {  	[sflag:s30] =	ssyncadd.s32 $0xFFFFD800  }
0xd0: {  	_ =	swait.ge [sflag:s31], $0x50  }
0xd1: {  	[sflag:s31] =	ssyncset.done $0x0  }
0xd2: {  	[sflag:s31] =	ssyncadd.s32 $0xFFFFFFB0  }
0xd3: {  	[spmem:s2] =	stream.indirect.scatter.add.f32 [tilespmem:s12], [sflag:$0x7], $0x80, s11, s8, $0xb8;
	[tilespmem:$0x1E000] =	vst v63  }
0xd4: {  	_ =	swait.ge [sflag:s6], $0x2800  }
0xd5: {  	[sflag:s6] =	ssyncset.done $0x0  }
0xd6: {  	[sflag:s6] =	ssyncadd.s32 $0xFFFFD800  }
0xd7: {  	_ =	swait.ge [sflag:s14], $0x2800  }
0xd8: {  	[sflag:s14] =	ssyncset.done $0x0  }
0xd9: {  	[sflag:s14] =	ssyncadd.s32 $0xFFFFD800  }
0xda: {  	_ =	swait.ge [sflag:s16], $0x50  }
0xdb: {  	[sflag:s16] =	ssyncset.done $0x0  }
0xdc: {  	[sflag:s16] =	ssyncadd.s32 $0xFFFFFFB0  }
0xdd: {  	[spmem:s2] =	stream.indirect.scatter.add.f32 [tilespmem:s5], [sflag:$0x7], $0x80, s7, s8, $0xb8;
	[tilespmem:$0x1E000] =	vst v63  }
0xde: {  	_ =	swait.ge [sflag:s6], $0x2800  }
0xdf: {  	[sflag:s6] =	ssyncset.done $0x0  }
0xe0: {  	[sflag:s6] =	ssyncadd.s32 $0xFFFFD800  }
0xe1: {  	_ =	swait.ge [sflag:s17], $0x2800  }
0xe2: {  	[sflag:s17] =	ssyncset.done $0x0  }
0xe3: {  	[sflag:s17] =	ssyncadd.s32 $0xFFFFD800  }
0xe4: {  	_ =	swait.ge [sflag:s18], $0x50  }
0xe5: {  	[sflag:s18] =	ssyncset.done $0x0  }
0xe6: {  	[sflag:s18] =	ssyncadd.s32 $0xFFFFFFB0  }
0xe7: {  	[spmem:s2] =	stream.indirect.scatter.add.f32 [tilespmem:s10], [sflag:$0x7], $0x80, s9, s8, $0xb8;
	[tilespmem:$0x1E000] =	vst v63  }
0xe8: {  	_ =	swait.ge [sflag:s6], $0x2800  }
0xe9: {  	[sflag:s6] =	ssyncset.done $0x0  }
0xea: {  	[sflag:s6] =	ssyncadd.s32 $0xFFFFD800  }
0xeb: {  	[bflag:$0x0] =	sbarrier.arrive $0xFFFF  }
0xec: {  	s21 =	rddreg [dreg:$0xe]  }
0xed: {  	[tilespmem:s5], [sflag:$0x7] =	stream.linear.gather [spmem:s21], $0x2800, $0x38;
	[tilespmem:$0x1E000] =	vst v63  }
0xee: {  	_ =	swait.ge [sflag:s6], $0x2800  }
0xef: {  	[sflag:s6] =	ssyncset.done $0x0  }
0xf0: {  	s22 =	rddreg [dreg:$0x4];
	[sflag:s6] =	ssyncadd.s32 $0xFFFFD800  }
0xf1: {  	[hbm4b:s22+s4] =	stream.linear.scatter [tilespmem:s5], [sflag:$0x7], $0x2800, $0x38;
	[tilespmem:$0x1E000] =	vst v63  }
0xf2: {  	_ =	swait.ge [sflag:s6], $0x2800  }
0xf3: {  	[sflag:s6] =	ssyncset.done $0x0  }
0xf4: {  	[sflag:s6] =	ssyncadd.s32 $0xFFFFD800  }
0xf5: {  	[tilespmem:s5], [sflag:$0x7] =	stream.linear.gather [spmem:s23], $0x2800, $0x38;
	[tilespmem:$0x1E000] =	vst v63  }
0xf6: {  	_ =	swait.ge [sflag:s6], $0x2800  }
0xf7: {  	[sflag:s6] =	ssyncset.done $0x0  }
0xf8: {  	s21 =	smov.u32 s23;
	s23 =	rddreg [dreg:$0x5];
	[sflag:s6] =	ssyncadd.s32 $0xFFFFD800  }
0xf9: {  	[hbm4b:s23+s4] =	stream.linear.scatter [tilespmem:s5], [sflag:$0x7], $0x2800, $0x38;
	[tilespmem:$0x1E000] =	vst v63  }
0xfa: {  	_ =	swait.ge [sflag:s6], $0x2800  }
0xfb: {  	[sflag:s6] =	ssyncset.done $0x0  }
0xfc: {  	[sflag:s6] =	ssyncadd.s32 $0xFFFFD800  }
0xfd: {  	[tilespmem:s5], [sflag:$0x7] =	stream.linear.gather [spmem:s24], $0x2800, $0x38;
	[tilespmem:$0x1E000] =	vst v63  }
0xfe: {  	_ =	swait.ge [sflag:s6], $0x2800  }
0xff: {  	[sflag:s6] =	ssyncset.done $0x0  }
0x100: {  	s22 =	smov.u32 s24;
	s24 =	rddreg [dreg:$0x6];
	[sflag:s6] =	ssyncadd.s32 $0xFFFFD800  }
0x101: {  	[hbm4b:s24+s4] =	stream.linear.scatter [tilespmem:s5], [sflag:$0x7], $0x2800, $0x38;
	[tilespmem:$0x1E000] =	vst v63  }
0x102: {  	_ =	swait.ge [sflag:s6], $0x2800  }
0x103: {  	[sflag:s6] =	ssyncset.done $0x0  }
0x104: {  	s15 =	rddreg [dreg:$0x11];
	[sflag:s6] =	ssyncadd.s32 $0xFFFFD800  }
0x105: {  	[tilespmem:s5], [sflag:$0x7] =	stream.linear.gather [spmem:s15], $0x2800, $0x38;
	[tilespmem:$0x1E000] =	vst v63  }
0x106: {  	_ =	swait.ge [sflag:s6], $0x2800  }
0x107: {  	[sflag:s6] =	ssyncset.done $0x0  }
0x108: {  	s19 =	rddreg [dreg:$0x7];
	[sflag:s6] =	ssyncadd.s32 $0xFFFFD800  }
0x109: {  	[hbm4b:s19+s4] =	stream.linear.scatter [tilespmem:s5], [sflag:$0x7], $0x2800, $0x38;
	[tilespmem:$0x1E000] =	vst v63  }
0x10a: {  	_ =	swait.ge [sflag:s6], $0x2800  }
0x10b: {  	[sflag:s6] =	ssyncset.done $0x0  }
0x10c: {  	s20 =	rddreg [dreg:$0x12];
	[sflag:s6] =	ssyncadd.s32 $0xFFFFD800  }
0x10d: {  	[tilespmem:s5], [sflag:$0x7] =	stream.linear.gather [spmem:s20], $0x2800, $0x38;
	[tilespmem:$0x1E000] =	vst v63  }
0x10e: {  	_ =	swait.ge [sflag:s6], $0x2800  }
0x10f: {  	[sflag:s6] =	ssyncset.done $0x0  }
0x110: {  	s23 =	rddreg [dreg:$0x8];
	[sflag:s6] =	ssyncadd.s32 $0xFFFFD800  }
0x111: {  	[hbm4b:s23+s4] =	stream.linear.scatter [tilespmem:s5], [sflag:$0x7], $0x2800, $0x38;
	[tilespmem:$0x1E000] =	vst v63  }
0x112: {  	_ =	swait.ge [sflag:s6], $0x2800  }
0x113: {  	[sflag:s6] =	ssyncset.done $0x0  }
0x114: {  	s24 =	rddreg [dreg:$0x13];
	[sflag:s6] =	ssyncadd.s32 $0xFFFFD800  }
0x115: {  	[tilespmem:s5], [sflag:$0x7] =	stream.linear.gather [spmem:s24], $0x2800, $0x38;
	[tilespmem:$0x1E000] =	vst v63  }
0x116: {  	_ =	swait.ge [sflag:s6], $0x2800  }
0x117: {  	[sflag:s6] =	ssyncset.done $0x0  }
0x118: {  	s15 =	rddreg [dreg:$0x9];
	[sflag:s6] =	ssyncadd.s32 $0xFFFFD800  }
0x119: {  	[hbm4b:s15+s4] =	stream.linear.scatter [tilespmem:s5], [sflag:$0x7], $0x2800, $0x38;
	[tilespmem:$0x1E000] =	vst v63  }
0x11a: {  	_ =	swait.ge [sflag:s6], $0x2800  }
0x11b: {  	[sflag:s6] =	ssyncset.done $0x0  }
0x11c: {  	s19 =	rddreg [dreg:$0x14];
	[sflag:s6] =	ssyncadd.s32 $0xFFFFD800  }
0x11d: {  	[tilespmem:s5], [sflag:$0x7] =	stream.linear.gather [spmem:s19], $0x2800, $0x38;
	[tilespmem:$0x1E000] =	vst v63  }
0x11e: {  	_ =	swait.ge [sflag:s6], $0x2800  }
0x11f: {  	[sflag:s6] =	ssyncset.done $0x0  }
0x120: {  	s20 =	rddreg [dreg:$0xa];
	[sflag:s6] =	ssyncadd.s32 $0xFFFFD800  }
0x121: {  	[hbm4b:s20+s4] =	stream.linear.scatter [tilespmem:s5], [sflag:$0x7], $0x2800, $0x38;
	[tilespmem:$0x1E000] =	vst v63  }
0x122: {  	_ =	swait.ge [sflag:s6], $0x2800  }
0x123: {  	[sflag:s6] =	ssyncset.done $0x0  }
0x124: {  	[sflag:s6] =	ssyncadd.s32 $0xFFFFD800  }
0x125: {  	[tilespmem:s5], [sflag:$0x7] =	stream.linear.gather [spmem:s25], $0x2800, $0x38;
	[tilespmem:$0x1E000] =	vst v63  }
0x126: {  	_ =	swait.ge [sflag:s6], $0x2800  }
0x127: {  	[sflag:s6] =	ssyncset.done $0x0  }
0x128: {  	s23 =	rddreg [dreg:$0xb];
	[sflag:s6] =	ssyncadd.s32 $0xFFFFD800  }
0x129: {  	[hbm4b:s23+s4] =	stream.linear.scatter [tilespmem:s5], [sflag:$0x7], $0x2800, $0x38;
	[tilespmem:$0x1E000] =	vst v63  }
0x12a: {  	_ =	swait.ge [sflag:s6], $0x2800  }
0x12b: {  	s0 =	sadd.s32 $0x1, s0;
	s24 =	rddreg [dreg:$0xf]  }
0x12c: {  	p0 =	sne.s32 s0, s24  }
.Ltmp2:
0x12d: {  	_ = 	snop;
	(pc) =	sbr.rel @p0 .LBB2_1-.Ltmp2, $3  }
0x12e: {  	_ =	sdelay $0x1  }
0x12f: {  	[sflag:s6] =	ssyncset.done $0x0  }
0x130: {  	[sflag:s6] =	ssyncadd.s32 $0xFFFFD800  }
0x131: {  	_ =	sfence.sel $0x180000  }
0x132: {  	[bflag:$0x0] =	sbarrier.arrive $0xFFFF  }
0x133: {  	_ =	strace $0x90000047  }
0x134: {  	s0 =	stileid.u32;
	[bflag:$0x2] =	sbarrier.arrive $0xFFFF  }
0x135: {  	p0 =	sne.s32 s0, $0x0;
	s0 =	rddreg [dreg:$0x3]  }
0x136: {  	s0 =	sadd.s32 @!p0 $0x100000, s0  }
0x137: {  	[sflag:s0] =	ssyncadd.tile.s32 @!p0 $0x1;
	_ =	shalt  }
.Lfunc_end2:
_tile_overlayer_lowered:
.L_overlay_start_2:
0x138: {  	(tag) =	ssettag $0x2  }
0x139: {  	s0 =	rddreg [dreg:$0x0];
	s2 =	stileid.u32  }
0x13a: {  	s1 =	rddreg [dreg:$0x1];
	p0 =	sne.s32 s2, $0x0  }
0x13b: {  	s3 =	rddreg [dreg:$0x2];
	[bflag:$0x3] =	sbarrier.arrive $0xFFFF;
	s2 =	simm.s32 @!p0 $0x1C07  }
0x13c: {  	[timem:s3], [sflag:s2] =	dma.local @!p0 [hbm:s0], s1  }
0x13d: {  	s0 =	simm.s32 @!p0 $0x7  }
0x13e: {  	_ =	swait.ge @!p0 [sflag:s0], s1  }
0x13f: {  	s1 =	ssub.s32 @!p0 $0x0, s1;
	[sflag:s0] =	ssyncset.done @!p0 $0x0  }
0x140: {  	[sflag:s0] =	ssyncadd.s32 @!p0 s1  }
0x141: {  	[bflag:$0x3] =	sbarrier.arrive $0xFFFF  }
0x142: {  	_ =	shalt  }

// kernel: kernel.9.cloned.1.call-start
scs
__scs_entry_jumppad:
0x0: {  	(pc) =	sbr.rel $0x88, $3  }
0x1: {  	(tag) =	ssettag $0x0;
	lr =	simm.s32 $0x1  }
0x2: {  	[smem:$0x3F97] =	sst lr;
	_ =	strace $0xD0000000  }
0x3: {  	_ = 	snop  }
0x4: {  	_ = 	snop  }
0x5: {  	_ = 	snop  }
0x6: {  	_ = 	snop  }
0x7: {  	_ = 	snop  }
__scs_overlays_trampoline_lowered:
0x8: {  	[smem:$0x3FA6] =	sst s0  }
0x9: {  	[smem:$0x3FA7] =	sst s1  }
0xa: {  	[smem:$0x3FA8] =	sst s2  }
0xb: {  	[smem:$0x3FA9] =	sst s3  }
0xc: {  	[smem:$0x3FAA] =	sst s4  }
0xd: {  	[smem:$0x3FAB] =	sst s5  }
0xe: {  	[smem:$0x3FAC] =	sst s6  }
0xf: {  	[smem:$0x3FAD] =	sst s7  }
0x10: {  	[smem:$0x3FAE] =	sst s8  }
0x11: {  	[smem:$0x3FAF] =	sst s9;
	s0 =	simm.s32 @!p0 $0x0  }
0x12: {  	s1 =	sld [smem:$0x3F95];
	s0 =	simm.s32 @p0 $0x1  }
0x13: {  	[smem:$0x3FB0] =	sst s0;
	s0 =	simm.s32 @!p1 $0x0  }
0x14: {  	s2 =	sld [smem:$0x3F94];
	s0 =	simm.s32 @p1 $0x1  }
0x15: {  	[smem:$0x3FB1] =	sst s0;
	s0 =	simm.s32 @!p2 $0x0  }
0x16: {  	s3 =	sld [smem:$0x3FDB];
	s0 =	simm.s32 @p2 $0x1  }
0x17: {  	s4 =	simm.s32 $0x1BF5;
	[smem:$0x3FB3] =	sst s0  }
0x18: {  	s0 =	sld [smem:$0x3F96];
	_ =	swait.ge [sflag:s4], $0x0  }
0x19: {  	s7 =	sld [smem:$0x3F97]  }
0x1a: {  	s8 =	sadd.s32 $0xFFFFE003, lr  }
0x1b: {  	s9 =	sadd.s32 $0xFFFFFEF7, lr;
	s5 =	simm.s32 $0xFFFFFFFF;
	p2 =	slt.u32 s8, $0xFFFFF086  }
0x1c: {  	p1 =	slt.u32 s9, $0xF7A;
	s5 =	simm.s32 @!p2 $0x0  }
0x1d: {  	s5 =	simm.s32 @p1 $0x1;
	p0 =	seq.s32 s7, s2  }
0x1e: {  	s7 =	smul.u32 @!p0 $0xF7A, s2;
	p2 =	seq.s32 @!p0 s5, $0x0  }
0x1f: {  	s9 =	smul.u32 $0xF7A, s1;
	s8 =	simm.s32 @!p0 $0x1BF5;
	p2 =	por !p2, p0  }
0x20: {  	[sflag:s8] =	ssyncset.s32 @!p0 $0xFFFFF086;
	s6 =	sadd.s32 @!p0 s3, s7;
	s7 =	simm.s32 @!p0 $0x108  }
0x21: {  	s3 =	sadd.s32 s3, s9;
	s6 =	sadd.s32 @!p0 $0x88, s6;
	s7 =	simm.s32 @p2 $0x1082  }
0x22: {  	[simem:s7], [sflag:s8] =	dma.local @!p0 [hbm:s6], $0xF7A  }
0x23: {  	s9 =	sor.u32 $0xD0000000, s2;
	s6 =	simm.s32 $0x108;
	_ =	swait.ge @!p0 [sflag:s8], $0x0  }
0x24: {  	s3 =	sadd.s32 $0x88, s3;
	s6 =	simm.s32 @!p1 $0x1082;
	[sflag:s4] =	ssyncset.s32 $0xFFFFF086  }
0x25: {  	[simem:s6], [sflag:s4] =	dma.local [hbm:s3], $0xF7A  }
0x26: {  	[smem:$0x3F97] =	sst s1;
	(tag) =	ssettag s2;
	_ =	strace s9  }
0x27: {  	s1 =	sld [smem:$0x3FA7]  }
0x28: {  	s2 =	sld [smem:$0x3FA8]  }
0x29: {  	s4 =	sld [smem:$0x3FAA]  }
0x2a: {  	p0 =	seq.s32 s5, $0x0;
	s5 =	sld [smem:$0x3FAB]  }
0x2b: {  	s6 =	sld [smem:$0x3FAC]  }
0x2c: {  	s7 =	sld [smem:$0x3FAD]  }
0x2d: {  	s3 =	simm.s32 $0x108;
	s8 =	sld [smem:$0x3FAE]  }
0x2e: {  	s3 =	simm.s32 @!p0 $0x1082;
	s9 =	sld [smem:$0x3FAF]  }
0x2f: {  	lr =	sadd.s32 s0, s3;
	s0 =	sld [smem:$0x3FA6]  }
0x30: {  	s3 =	sld [smem:$0x3FA9]  }
0x31: {  	[smem:$0x3FB2] =	sst s10  }
0x32: {  	s10 =	sld [smem:$0x3FB0];
	_ =	sdelay $0x3  }
0x33: {  	p0 =	seq.s32 s10, $0x1;
	s10 =	sld [smem:$0x3FB2];
	_ =	sdelay $0x3  }
0x34: {  	[smem:$0x3FB2] =	sst s10  }
0x35: {  	s10 =	sld [smem:$0x3FB1];
	_ =	sdelay $0x3  }
0x36: {  	p1 =	seq.s32 s10, $0x1;
	s10 =	sld [smem:$0x3FB2];
	_ =	sdelay $0x3  }
0x37: {  	[smem:$0x3FB2] =	sst s10  }
0x38: {  	s10 =	sld [smem:$0x3FB3]  }
0x39: {  	_ = 	snop;
	(pc) =	sbr.ind lr, $3  }
0x3a: {  	_ = 	snop  }
0x3b: {  	_ = 	snop  }
0x3c: {  	p2 =	seq.s32 s10, $0x1;
	s10 =	sld [smem:$0x3FB2]  }
0x3d: {  	_ =	shalt  }
0x3e: {  	_ =	shalt  }
0x3f: {  	_ =	shalt  }
0x40: {  	_ =	shalt  }
0x41: {  	_ =	shalt  }
0x42: {  	_ =	shalt  }
0x43: {  	_ =	shalt  }
0x44: {  	_ =	shalt  }
0x45: {  	_ =	shalt  }
0x46: {  	_ =	shalt  }
0x47: {  	_ =	shalt  }
0x48: {  	_ =	shalt  }
0x49: {  	_ =	shalt  }
0x4a: {  	_ =	shalt  }
0x4b: {  	_ =	shalt  }
0x4c: {  	_ =	shalt  }
0x4d: {  	_ =	shalt  }
0x4e: {  	_ =	shalt  }
0x4f: {  	_ =	shalt  }
0x50: {  	_ =	shalt  }
0x51: {  	_ =	shalt  }
0x52: {  	_ =	shalt  }
0x53: {  	_ =	shalt  }
0x54: {  	_ =	shalt  }
0x55: {  	_ =	shalt  }
0x56: {  	_ =	shalt  }
0x57: {  	_ =	shalt  }
0x58: {  	_ =	shalt  }
0x59: {  	_ =	shalt  }
0x5a: {  	_ =	shalt  }
0x5b: {  	_ =	shalt  }
0x5c: {  	_ =	shalt  }
0x5d: {  	_ =	shalt  }
0x5e: {  	_ =	shalt  }
0x5f: {  	_ =	shalt  }
0x60: {  	_ =	shalt  }
0x61: {  	_ =	shalt  }
0x62: {  	_ =	shalt  }
0x63: {  	_ =	shalt  }
0x64: {  	_ =	shalt  }
0x65: {  	_ =	shalt  }
0x66: {  	_ =	shalt  }
0x67: {  	_ =	shalt  }
0x68: {  	_ =	shalt  }
0x69: {  	_ =	shalt  }
0x6a: {  	_ =	shalt  }
0x6b: {  	_ =	shalt  }
0x6c: {  	_ =	shalt  }
0x6d: {  	_ =	shalt  }
0x6e: {  	_ =	shalt  }
0x6f: {  	_ =	shalt  }
0x70: {  	_ =	shalt  }
0x71: {  	_ =	shalt  }
0x72: {  	_ =	shalt  }
0x73: {  	_ =	shalt  }
0x74: {  	_ =	shalt  }
0x75: {  	_ =	shalt  }
0x76: {  	_ =	shalt  }
0x77: {  	_ =	shalt  }
0x78: {  	_ =	shalt  }
0x79: {  	_ =	shalt  }
0x7a: {  	_ =	shalt  }
0x7b: {  	_ =	shalt  }
0x7c: {  	_ =	shalt  }
0x7d: {  	_ =	shalt  }
0x7e: {  	_ =	shalt  }
0x7f: {  	_ =	shalt  }
0x80: {  	_ =	shalt  }
0x81: {  	_ =	shalt  }
0x82: {  	_ =	shalt  }
0x83: {  	_ =	shalt  }
0x84: {  	_ =	shalt  }
0x85: {  	_ =	shalt  }
0x86: {  	_ =	shalt  }
0x87: {  	_ =	shalt  }
.Lfunc_end0:
.L_simem_size_0:
called_computation.1_lowered:
.L_overlay_start_0:
0x88: {  	s2 =	sld [smem:$0x3FD9]  }
0x89: {  	s3 =	sld [smem:$0x3FFE];
	_ =	sdelay $0x1  }
0x8a: {  	s1 =	srdreg.scid  }
0x8b: {  	s0 =	sand.u32 $0x1, s1  }
0x8c: {  	s16 =	sshll.u32 s0, $0xA;
	s2 =	sadd.s32 s3, s2  }
0x8d: {  	s2 =	sadd.s32 s2, s16  }
0x8e: {  	[smem:$0x3FBE] =	sst s2  }
0x8f: {  	_ = 	snop  }
0x90: {  	(tm) =	ssettm $0x1  }
0x91: {  	s17 =	sld [smem:$0x3FFB];
	_ =	sdelay $0x3  }
0x92: {  	_ =	strace s17  }
0x93: {  	s2 =	sld [smem:$0x3FFC];
	_ =	sdelay $0x3  }
0x94: {  	_ =	strace s2  }
0x95: {  	s2 =	sld [smem:$0x3FFD];
	_ =	sdelay $0x3  }
0x96: {  	_ =	strace s2  }
0x97: {  	_ =	strace $0x8FFFFFFF  }
0x98: {  	s18 =	sld [smem:$0x3FDB];
	_ =	sdelay $0x1  }
0x99: {  	s19 =	simm.s32 $_scs_section_size  }
0x9a: {  	s4 =	simm.s32 $_size__tile_overlayer_lowered;
	s5 =	simm.s32 $_tile_overlayer_lowered  }
0x9b: {  	s22 =	simm.s32 $0x1BFF;
	s21 =	sshll.u32 s5, $0x1;
	s2 =	sadd.s32 s19, s18  }
0x9c: {  	s6 =	simm.s32 $0x0;
	s20 =	sshll.u32 s4, $0x1;
	s4 =	sadd.s32 s21, s2  }
0x9d: {  	[timem:s6], [sflag:s22] =	dma.local [hbm:s4], s20  }
0x9e: {  	_ =	swait.ge [sflag:s22], s20  }
0x9f: {  	s3 =	ssub.s32 $0x0, s20;
	[sflag:s22] =	ssyncset.done $0x0  }
0xa0: {  	[sflag:s22] =	ssyncadd.s32 s3;
	_ =	sdelay $0x1  }
0xa1: {  	s23 =	simm.s32 $0x1B8B  }
0xa2: {  	_ =	swait.ge [sflag:s23], $0x1  }
0xa3: {  	[sflag:s23] =	ssyncset.done $0x0  }
0xa4: {  	s25 =	simm.s32 $0x1B8E;
	s24 =	sld [smem:$0x3FFE];
	[sflag:s23] =	ssyncadd.s32 $0xFFFFFFFF  }
0xa5: {  	s26 =	simm.s32 $execute0_lowered;
	[smem:$0x3FD2] =	sst s25  }
0xa6: {  	s4 =	sshll.u32 s26, $0x1;
	_ =	strace $0x80000049;
	[dreg:$0x1] =	wrdreg $0xFFFFFFFF  }
0xa7: {  	s28 =	simm.s32 $_size_execute0_lowered;
	s2 =	sadd.s32 s2, s4;
	[dreg:$0x0] =	wrdreg $0x0  }
0xa8: {  	s4 =	sshll.u32 s28, $0x1;
	[dreg:$0x2] =	wrdreg s2  }
0xa9: {  	[dreg:$0x3] =	wrdreg s4  }
0xaa: {  	[dreg:$0x4] =	wrdreg $0xC0  }
0xab: {  	_ =	task [dreg:s6], $0x5FFFF  }
0xac: {  	[dreg:$0x1] =	wrdreg $0xFFFFFFFF  }
0xad: {  	[dreg:$0x0] =	wrdreg $0x60  }
0xae: {  	[dreg:$0x2] =	wrdreg s24  }
0xaf: {  	[dreg:$0x3] =	wrdreg $0x15400  }
0xb0: {  	[dreg:$0x4] =	wrdreg $0x9  }
0xb1: {  	_ =	task.clear_ibuf [dreg:s6], $0x5FFFF;
	_ =	strace $0x90000049  }
0xb2: {  	s29 =	simm.s32 $0x9;
	_ =	strace $0x8000004B  }
0xb3: {  	_ =	swait.ge [sflag:s29], $0x1  }
0xb4: {  	[sflag:s29] =	ssyncadd.s32 $0xFFFFFFFF  }
0xb5: {  	_ =	strace $0x9000004B  }
0xb6: {  	_ =	sfence  }
0xb7: {  	s30 =	sld [smem:$0x0];
	_ =	sdelay $0x2  }
0xb8: {  	s31 =	sshll.u32 s1, $0xD;
	s1 =	sshrl.u32 s1, $0x2  }
0xb9: {  	s3 =	sand.u32 $0x4000, s31;
	s1 =	sadd.s32 s1, s30  }
0xba: {  	s0 =	sor.u32 s3, s0;
	s1 =	sshll.u32 s1, $0x11  }
0xbb: {  	s0 =	sor.u32 s1, s0  }
0xbc: {  	s0 =	sadd.s32 $0x8F2B, s0  }
0xbd: {  	[sflag:s0] =	ssyncadd.remote.s32 $0x1  }
0xbe: {  	_ =	sfence.sel $0xFFFF  }
0xbf: {  	[dreg:$0x0] =	wrdreg $0xFFFFFFFF;
	(pc) =	sbr.abs _section_cstart, $3  }
0xc0: {  	[dreg:$0x1] =	wrdreg $0xFFFFFFFF  }
0xc1: {  	_ =	task.clear_ibuf [dreg:s6], $0x2FFFF;
	_ =	strace $0x9FFFFFFF  }
0xc2: {  	(tm) =	ssettm $0x7FFFFFFF  }
0xc3: {  	_ =	shalt  }
tec
execute0_lowered:
.L_overlay_start_1:
0x0: {  	(tag) =	ssettag $0x1  }
0x1: {  	s0 =	srdreg.scid  }
0x2: {  	s25 =	stileid.u32;
	s3 =	rddreg [dreg:$0x0]  }
0x3: {  	s1 =	simm.s32 $0x0;
	s28 =	simm.s32 $0x0;
	s12 =	sand.u32 $0x1, s0  }
0x4: {  	[smem:$0x7FF] =	sst s1;
	s11 =	sadd.s32 $0x549600, s3;
	s16 =	smul.u32 $0x28000, s12  }
0x5: {  	s0 =	sshll.u32 s12, $0x4;
	s5 =	ssub.s32 $0x2, s12;
	s12 =	smul.u32 $0x27100, s12  }
0x6: {  	s2 =	sadd.s32 $0x3A00, s3;
	s4 =	sor.u32 s25, s0;
	s0 =	smul.u32 $0x2800, s25  }
0x7: {  	s14 =	sadd.s32 $0x67600, s3;
	s20 =	sshrl.u32 s5, $0x1;
	s13 =	smul.u32 $0x2710, s4  }
0x8: {  	s15 =	smul.u32 $0x4E20, s4;
	s3 =	ssub.s32 s5, s20;
	s4 =	sor.u32 $0x500, s0  }
0x9: {  	s5 =	sadd.s32 $0xA00, s0;
	s6 =	sadd.s32 $0xF00, s0;
	s7 =	sadd.s32 $0x1400, s0  }
0xa: {  	s8 =	sadd.s32 $0x1900, s0;
	s9 =	sadd.s32 $0x1E00, s0;
	s10 =	sadd.s32 $0x2300, s0  }
0xb: {  	s17 =	sadd.s32 s16, s0;
	s3 =	smax.u32 s3, $0x1;
	s18 =	sadd.s32 s16, s4  }
0xc: {  	s19 =	sadd.s32 s16, s5;
	s17 =	sshrl.u32 s17, $0x3;
	s23 =	sadd.s32 s16, s6  }
0xd: {  	s24 =	sadd.s32 s16, s7;
	s26 =	sadd.s32 s16, s8;
	s20 =	sadd.s32 s16, s9  }
0xe: {  	s16 =	sadd.s32 s16, s10;
	s15 =	sadd.s32 s11, s15;
	s18 =	sshrl.u32 s18, $0x3  }
0xf: {  	s19 =	sshrl.u32 s19, $0x3;
	s17 =	sadd.s32 s14, s17;
	[dreg:$0xb] =	wrdreg s15  }
0x10: {  	s16 =	sshrl.u32 s16, $0x3;
	[dreg:$0x3] =	wrdreg s17;
	s21 =	sadd.s32 s14, s18  }
0x11: {  	s22 =	sadd.s32 s14, s19;
	s17 =	sshrl.u32 s23, $0x3;
	[dreg:$0x4] =	wrdreg s21  }
0x12: {  	s18 =	sshrl.u32 s24, $0x3;
	[dreg:$0x5] =	wrdreg s22;
	s17 =	sadd.s32 s14, s17  }
0x13: {  	s19 =	sshrl.u32 s26, $0x3;
	s18 =	sadd.s32 s14, s18;
	[dreg:$0x6] =	wrdreg s17  }
0x14: {  	s19 =	sadd.s32 s14, s19;
	s21 =	smul.u32 $0x2710, s25;
	[dreg:$0x7] =	wrdreg s18  }
0x15: {  	[dreg:$0x8] =	wrdreg s19;
	s17 =	sshrl.u32 s20, $0x3;
	s18 =	sadd.s32 $0xA0, s13  }
0x16: {  	s17 =	sadd.s32 s14, s17;
	s14 =	sadd.s32 s14, s16;
	s12 =	sadd.s32 s21, s12  }
0x17: {  	s24 =	sshll.u32 s18, $0x1;
	s16 =	sshrl.u32 s13, $0x3;
	[dreg:$0x9] =	wrdreg s17  }
0x18: {  	[dreg:$0xa] =	wrdreg s14;
	s14 =	sadd.s32 $0x50, s13;
	s15 =	sadd.s32 s11, s24  }
0x19: {  	s13 =	sadd.s32 $0xF0, s13;
	s24 =	sadd.s32 $0x190, s12;
	s21 =	sadd.s32 $0x140, s12  }
0x1a: {  	s22 =	sshll.u32 s14, $0x1;
	[dreg:$0xd] =	wrdreg s15;
	s26 =	sshll.u32 s13, $0x1  }
0x1b: {  	s20 =	sshll.u32 s24, $0x1;
	[dreg:$0xf] =	wrdreg s21;
	s14 =	sshrl.u32 s14, $0x3  }
0x1c: {  	s23 =	sadd.s32 s11, s22;
	s22 =	sadd.s32 $0x230, s12;
	s15 =	sadd.s32 s11, s26  }
0x1d: {  	s20 =	sadd.s32 s20, s11;
	s26 =	sshll.u32 s21, $0x1;
	[dreg:$0xc] =	wrdreg s23  }
0x1e: {  	s23 =	sadd.s32 $0x1E0, s12;
	[dreg:$0xe] =	wrdreg s15;
	s17 =	sshll.u32 s22, $0x1  }
0x1f: {  	s21 =	sadd.s32 s26, s11;
	s12 =	sadd.s32 s2, s16;
	s16 =	sshrl.u32 s18, $0x3  }
0x20: {  	s18 =	smul.u32 $0xA000, s25;
	s26 =	sshrl.u32 s13, $0x3;
	s19 =	sshll.u32 s23, $0x1  }
0x21: {  	s15 =	sadd.s32 s17, s11;
	s17 =	sadd.s32 s19, s11;
	s19 =	rddreg [dreg:$0x1]  }
0x22: {  	s25 =	sadd.s32 s2, s16;
	_ =	strace $0x8000004A;
	[dreg:$0x10] =	wrdreg s12  }
0x23: {  	s11 =	sadd.s32 s2, s14;
	[dreg:$0x12] =	wrdreg s25;
	s12 =	sshrl.u32 s18, $0x2  }
0x24: {  	[dreg:$0x15] =	wrdreg s3;
	s18 =	sshrl.u32 s22, $0x3;
	s22 =	sshrl.u32 s23, $0x3  }
0x25: {  	s23 =	sshrl.u32 s24, $0x3;
	[dreg:$0x11] =	wrdreg s11;
	s11 =	sadd.s32 s2, s26  }
0x26: {  	s0 =	sadd.s32 s0, s19;
	s3 =	sadd.s32 s4, s19;
	s16 =	sadd.s32 s5, s19  }
0x27: {  	s29 =	sadd.s32 s6, s19;
	s30 =	sadd.s32 s7, s19;
	[dreg:$0x13] =	wrdreg s11  }
0x28: {  	s31 =	sadd.s32 s8, s19;
	s13 =	sadd.s32 s9, s19;
	[dreg:$0x14] =	wrdreg s0  }
0x29: {  	s14 =	sadd.s32 s10, s19;
	s24 =	sadd.s32 s18, s2;
	[dreg:$0x1a] =	wrdreg s13  }
0x2a: {  	s25 =	sadd.s32 s22, s2;
	s26 =	sadd.s32 s23, s2;
	[dreg:$0x1b] =	wrdreg s14  }
0x2b: {  	s9 =	simm.s32 $0x140;
	s10 =	simm.s32 $0x9;
	[dreg:$0x1c] =	wrdreg s24  }
0x2c: {  	s22 =	simm.s32 $0x5;
	s23 =	simm.s32 $0x1;
	[dreg:$0x1d] =	wrdreg s25  }
.Ltmp0:
0x2d: {  	s18 =	simm.s32 $0x6;
	[dreg:$0x1e] =	wrdreg s26;
	(pc) =	sbr.rel .LBB2_1-.Ltmp0, $4  }
0x2e: {  	s0 =	sadd.s32 s12, s19;
	s11 =	simm.s32 $0x50;
	[dreg:$0x17] =	wrdreg s29  }
0x2f: {  	s12 =	simm.s32 $0x640;
	s13 =	simm.s32 $0xF0;
	[dreg:$0x18] =	wrdreg s30  }
0x30: {  	s14 =	simm.s32 $0x1040;
	s24 =	simm.s32 $0x2;
	[dreg:$0x19] =	wrdreg s31  }
0x31: {  	v0 =	vimm.f32 $0.0e+00;
	s25 =	simm.s32 $0x8;
	s26 =	simm.s32 $0x4;
	[dreg:$0x16] =	wrdreg s0  }
.LBB2_6:
0x32: {  	_ =	swait.ge [sflag:s22], $0x500  }
0x33: {  	[sflag:s22] =	ssyncset.done $0x0  }
0x34: {  	[sflag:s22] =	ssyncadd.s32 $0xFFFFFB00  }
0x35: {  	_ =	swait.ge [sflag:s23], $0x50  }
0x36: {  	[sflag:s23] =	ssyncset.done $0x0  }
0x37: {  	[sflag:s23] =	ssyncadd.s32 $0xFFFFFFB0  }
0x38: {  	[spmem:s19] =	stream.indirect.scatter.add.f32 [tilespmem:s9], [sflag:$0x9], $0x10, s1, s11, $0xb8;
	[tilespmem:$0x3D40] =	vst v63  }
0x39: {  	_ =	swait.ge [sflag:s10], $0x500  }
0x3a: {  	[sflag:s10] =	ssyncset.done $0x0  }
0x3b: {  	[sflag:s10] =	ssyncadd.s32 $0xFFFFFB00  }
0x3c: {  	[bflag:$0x0] =	sbarrier.arrive $0xFFFF  }
0x3d: {  	s0 =	rddreg [dreg:$0x14]  }
0x3e: {  	[tilespmem:s9], [sflag:$0x9] =	stream.linear.gather [spmem:s0], $0x500, $0x38;
	[tilespmem:$0x3D40] =	vst v63  }
0x3f: {  	_ =	swait.ge [sflag:s10], $0x500  }
0x40: {  	[sflag:s10] =	ssyncset.done $0x0  }
0x41: {  	s3 =	rddreg [dreg:$0x3];
	[sflag:s10] =	ssyncadd.s32 $0xFFFFFB00  }
0x42: {  	[hbm4b:s3+s1] =	stream.linear.scatter [tilespmem:s9], [sflag:$0x9], $0x500, $0x38;
	[tilespmem:$0x3D40] =	vst v63  }
0x43: {  	_ =	swait.ge [sflag:s10], $0x500  }
0x44: {  	[sflag:s10] =	ssyncset.done $0x0  }
0x45: {  	[sflag:s10] =	ssyncadd.s32 $0xFFFFFB00  }
0x46: {  	[tilespmem:s9], [sflag:$0x9] =	stream.linear.gather [spmem:s4], $0x500, $0x38;
	[tilespmem:$0x3D40] =	vst v63  }
0x47: {  	_ =	swait.ge [sflag:s10], $0x500  }
0x48: {  	[sflag:s10] =	ssyncset.done $0x0  }
0x49: {  	s3 =	smov.u32 s4;
	s4 =	rddreg [dreg:$0x4];
	[sflag:s10] =	ssyncadd.s32 $0xFFFFFB00  }
0x4a: {  	[hbm4b:s4+s1] =	stream.linear.scatter [tilespmem:s9], [sflag:$0x9], $0x500, $0x38;
	[tilespmem:$0x3D40] =	vst v63  }
0x4b: {  	_ =	swait.ge [sflag:s10], $0x500  }
0x4c: {  	[sflag:s10] =	ssyncset.done $0x0  }
0x4d: {  	[sflag:s10] =	ssyncadd.s32 $0xFFFFFB00  }
0x4e: {  	[tilespmem:s9], [sflag:$0x9] =	stream.linear.gather [spmem:s5], $0x500, $0x38;
	[tilespmem:$0x3D40] =	vst v63  }
0x4f: {  	_ =	swait.ge [sflag:s10], $0x500  }
0x50: {  	[sflag:s10] =	ssyncset.done $0x0  }
0x51: {  	s16 =	smov.u32 s5;
	s5 =	rddreg [dreg:$0x5];
	[sflag:s10] =	ssyncadd.s32 $0xFFFFFB00  }
0x52: {  	[hbm4b:s5+s1] =	stream.linear.scatter [tilespmem:s9], [sflag:$0x9], $0x500, $0x38;
	[tilespmem:$0x3D40] =	vst v63  }
0x53: {  	_ =	swait.ge [sflag:s10], $0x500  }
0x54: {  	[sflag:s10] =	ssyncset.done $0x0  }
0x55: {  	s29 =	rddreg [dreg:$0x17];
	[sflag:s10] =	ssyncadd.s32 $0xFFFFFB00  }
0x56: {  	[tilespmem:s9], [sflag:$0x9] =	stream.linear.gather [spmem:s29], $0x500, $0x38;
	[tilespmem:$0x3D40] =	vst v63  }
0x57: {  	_ =	swait.ge [sflag:s10], $0x500  }
0x58: {  	[sflag:s10] =	ssyncset.done $0x0  }
0x59: {  	s6 =	rddreg [dreg:$0x6];
	[sflag:s10] =	ssyncadd.s32 $0xFFFFFB00  }
0x5a: {  	[hbm4b:s6+s1] =	stream.linear.scatter [tilespmem:s9], [sflag:$0x9], $0x500, $0x38;
	[tilespmem:$0x3D40] =	vst v63  }
0x5b: {  	_ =	swait.ge [sflag:s10], $0x500  }
0x5c: {  	[sflag:s10] =	ssyncset.done $0x0  }
0x5d: {  	s30 =	rddreg [dreg:$0x18];
	[sflag:s10] =	ssyncadd.s32 $0xFFFFFB00  }
0x5e: {  	[tilespmem:s9], [sflag:$0x9] =	stream.linear.gather [spmem:s30], $0x500, $0x38;
	[tilespmem:$0x3D40] =	vst v63  }
0x5f: {  	_ =	swait.ge [sflag:s10], $0x500  }
0x60: {  	[sflag:s10] =	ssyncset.done $0x0  }
0x61: {  	s7 =	rddreg [dreg:$0x7];
	[sflag:s10] =	ssyncadd.s32 $0xFFFFFB00  }
0x62: {  	[hbm4b:s7+s1] =	stream.linear.scatter [tilespmem:s9], [sflag:$0x9], $0x500, $0x38;
	[tilespmem:$0x3D40] =	vst v63  }
0x63: {  	_ =	swait.ge [sflag:s10], $0x500  }
0x64: {  	[sflag:s10] =	ssyncset.done $0x0  }
0x65: {  	s31 =	rddreg [dreg:$0x19];
	[sflag:s10] =	ssyncadd.s32 $0xFFFFFB00  }
0x66: {  	[tilespmem:s9], [sflag:$0x9] =	stream.linear.gather [spmem:s31], $0x500, $0x38;
	[tilespmem:$0x3D40] =	vst v63  }
0x67: {  	_ =	swait.ge [sflag:s10], $0x500  }
0x68: {  	[sflag:s10] =	ssyncset.done $0x0  }
0x69: {  	s8 =	rddreg [dreg:$0x8];
	[sflag:s10] =	ssyncadd.s32 $0xFFFFFB00  }
0x6a: {  	[hbm4b:s8+s1] =	stream.linear.scatter [tilespmem:s9], [sflag:$0x9], $0x500, $0x38;
	[tilespmem:$0x3D40] =	vst v63  }
0x6b: {  	_ =	swait.ge [sflag:s10], $0x500  }
0x6c: {  	[sflag:s10] =	ssyncset.done $0x0  }
0x6d: {  	s4 =	rddreg [dreg:$0x1a];
	[sflag:s10] =	ssyncadd.s32 $0xFFFFFB00  }
0x6e: {  	[tilespmem:s9], [sflag:$0x9] =	stream.linear.gather [spmem:s4], $0x500, $0x38;
	[tilespmem:$0x3D40] =	vst v63  }
0x6f: {  	_ =	swait.ge [sflag:s10], $0x500  }
0x70: {  	[sflag:s10] =	ssyncset.done $0x0  }
0x71: {  	s5 =	rddreg [dreg:$0x9];
	[sflag:s10] =	ssyncadd.s32 $0xFFFFFB00  }
0x72: {  	[hbm4b:s5+s1] =	stream.linear.scatter [tilespmem:s9], [sflag:$0x9], $0x500, $0x38;
	[tilespmem:$0x3D40] =	vst v63  }
0x73: {  	_ =	swait.ge [sflag:s10], $0x500  }
0x74: {  	[sflag:s10] =	ssyncset.done $0x0  }
0x75: {  	s6 =	rddreg [dreg:$0x1b];
	[sflag:s10] =	ssyncadd.s32 $0xFFFFFB00  }
0x76: {  	[tilespmem:s9], [sflag:$0x9] =	stream.linear.gather [spmem:s6], $0x500, $0x38;
	[tilespmem:$0x3D40] =	vst v63  }
0x77: {  	_ =	swait.ge [sflag:s10], $0x500  }
0x78: {  	[sflag:s10] =	ssyncset.done $0x0  }
0x79: {  	s7 =	rddreg [dreg:$0xa];
	[sflag:s10] =	ssyncadd.s32 $0xFFFFFB00  }
0x7a: {  	[hbm4b:s7+s1] =	stream.linear.scatter [tilespmem:s9], [sflag:$0x9], $0x500, $0x38;
	[tilespmem:$0x3D40] =	vst v63  }
0x7b: {  	_ =	swait.ge [sflag:s10], $0x500  }
0x7c: {  	s28 =	sadd.s32 $0x1, s28;
	s8 =	rddreg [dreg:$0x15]  }
0x7d: {  	p0 =	sne.s32 s28, s8  }
.Ltmp1:
0x7e: {  	_ = 	snop;
	(pc) =	sbr.rel @!p0 .LBB2_7-.Ltmp1, $3  }
0x7f: {  	_ =	sdelay $0x1  }
0x80: {  	[sflag:s10] =	ssyncset.done $0x0  }
0x81: {  	[sflag:s10] =	ssyncadd.s32 $0xFFFFFB00  }
.LBB2_1:
0x82: {  	s6 =	simm.s32 $0x40;
	s7 =	simm.s32 $0x0  }
.LBB2_2:
0x83: {  	p0 =	sne.s32 s6, $0x13C0;
	[tilespmem:s7+$0x140] =	vst v0;
	s7 =	smov.u32 s6;
	s6 =	sadd.s32 $0x40, s6  }
.Ltmp2:
0x84: {  	(pc) =	sbr.rel @p0 .LBB2_2-.Ltmp2, $2  }
0x85: {  	_ =	sdelay $0x2  }
0x86: {  	s7 =	sshra.s32 s7, $0x2  }
0x87: {  	[tilespmem:s7+$0x140] =	vst v0;
	s0 =	rddreg [dreg:$0x16]  }
0x88: {  	[spmem:s0] =	stream.linear.scatter [tilespmem:s9], [sflag:$0x9], $0x500, $0x38;
	[tilespmem:$0x3D40] =	vst v63  }
0x89: {  	_ =	swait.ge [sflag:s10], $0x500  }
0x8a: {  	[sflag:s10] =	ssyncset.done $0x0  }
0x8b: {  	[sflag:s10] =	ssyncadd.s32 $0xFFFFFB00  }
0x8c: {  	[spmem:s3] =	stream.linear.scatter [tilespmem:s9], [sflag:$0x9], $0x500, $0x38;
	[tilespmem:$0x3D40] =	vst v63  }
0x8d: {  	_ =	swait.ge [sflag:s10], $0x500  }
0x8e: {  	[sflag:s10] =	ssyncset.done $0x0  }
0x8f: {  	[sflag:s10] =	ssyncadd.s32 $0xFFFFFB00  }
0x90: {  	[spmem:s16] =	stream.linear.scatter [tilespmem:s9], [sflag:$0x9], $0x500, $0x38;
	[tilespmem:$0x3D40] =	vst v63  }
0x91: {  	_ =	swait.ge [sflag:s10], $0x500  }
0x92: {  	[sflag:s10] =	ssyncset.done $0x0  }
0x93: {  	[sflag:s10] =	ssyncadd.s32 $0xFFFFFB00  }
0x94: {  	[spmem:s29] =	stream.linear.scatter [tilespmem:s9], [sflag:$0x9], $0x500, $0x38;
	[tilespmem:$0x3D40] =	vst v63  }
0x95: {  	_ =	swait.ge [sflag:s10], $0x500  }
0x96: {  	[sflag:s10] =	ssyncset.done $0x0  }
0x97: {  	[sflag:s10] =	ssyncadd.s32 $0xFFFFFB00  }
0x98: {  	[spmem:s30] =	stream.linear.scatter [tilespmem:s9], [sflag:$0x9], $0x500, $0x38;
	[tilespmem:$0x3D40] =	vst v63  }
0x99: {  	_ =	swait.ge [sflag:s10], $0x500  }
0x9a: {  	[sflag:s10] =	ssyncset.done $0x0  }
0x9b: {  	[sflag:s10] =	ssyncadd.s32 $0xFFFFFB00  }
0x9c: {  	[spmem:s31] =	stream.linear.scatter [tilespmem:s9], [sflag:$0x9], $0x500, $0x38;
	[tilespmem:$0x3D40] =	vst v63  }
0x9d: {  	_ =	swait.ge [sflag:s10], $0x500  }
0x9e: {  	[sflag:s10] =	ssyncset.done $0x0  }
0x9f: {  	s4 =	smov.u32 s3;
	s3 =	rddreg [dreg:$0x1a];
	[sflag:s10] =	ssyncadd.s32 $0xFFFFFB00  }
0xa0: {  	[spmem:s3] =	stream.linear.scatter [tilespmem:s9], [sflag:$0x9], $0x500, $0x38;
	[tilespmem:$0x3D40] =	vst v63  }
0xa1: {  	_ =	swait.ge [sflag:s10], $0x500  }
0xa2: {  	[sflag:s10] =	ssyncset.done $0x0  }
0xa3: {  	s6 =	rddreg [dreg:$0x1b];
	[sflag:s10] =	ssyncadd.s32 $0xFFFFFB00  }
0xa4: {  	[spmem:s6] =	stream.linear.scatter [tilespmem:s9], [sflag:$0x9], $0x500, $0x38;
	[tilespmem:$0x3D40] =	vst v63  }
0xa5: {  	_ =	swait.ge [sflag:s10], $0x500  }
0xa6: {  	[sflag:s10] =	ssyncset.done $0x0  }
0xa7: {  	[sflag:s10] =	ssyncadd.s32 $0xFFFFFB00  }
0xa8: {  	[bflag:$0x0] =	sbarrier.arrive $0xFFFF  }
0xa9: {  	s7 =	rddreg [dreg:$0x10]  }
0xaa: {  	s8 =	rddreg [dreg:$0xb]  }
0xab: {  	s5 =	smov.u32 s16;
	s16 =	rddreg [dreg:$0x11]  }
0xac: {  	s31 =	rddreg [dreg:$0xc]  }
0xad: {  	s29 =	simm.s32 $0x0;
	s3 =	rddreg [dreg:$0x12]  }
0xae: {  	[tilespmem:s29], [sflag:$0x1] =	stream.linear.gather [hbm4b:s7+s29], $0x50, $0x38;
	[tilespmem:$0x3D40] =	vst v63  }
0xaf: {  	s30 =	rddreg [dreg:$0x1c]  }
0xb0: {  	[tilespmem:s9], [sflag:$0x5] =	stream.linear.gather [hbm4b:s8+s29], $0x500, $0x38;
	[tilespmem:$0x3D40] =	vst v63  }
0xb1: {  	s7 =	rddreg [dreg:$0xd]  }
0xb2: {  	[tilespmem:s11], [sflag:$0x2] =	stream.linear.gather [hbm4b:s16+s29], $0x50, $0x38;
	[tilespmem:$0x3D40] =	vst v63  }
0xb3: {  	s16 =	rddreg [dreg:$0x13]  }
0xb4: {  	[tilespmem:s12], [sflag:$0x6] =	stream.linear.gather [hbm4b:s31+s29], $0x500, $0x38;
	[tilespmem:$0x3D40] =	vst v63  }
0xb5: {  	s6 =	simm.s32 $0xA0;
	s31 =	rddreg [dreg:$0xe]  }
0xb6: {  	[tilespmem:s6], [sflag:$0x3] =	stream.linear.gather [hbm4b:s3+s29], $0x50, $0x38;
	[tilespmem:$0x3D40] =	vst v63  }
0xb7: {  	s8 =	simm.s32 $0xB40;
	s6 =	rddreg [dreg:$0xf]  }
0xb8: {  	[tilespmem:s8], [sflag:$0x7] =	stream.linear.gather [hbm4b:s7+s29], $0x500, $0x38;
	[tilespmem:$0x3D40] =	vst v63  }
0xb9: {  	s8 =	rddreg [dreg:$0x1e]  }
0xba: {  	[tilespmem:s13], [sflag:$0x4] =	stream.linear.gather [hbm4b:s16+s29], $0x50, $0x38;
	[tilespmem:$0x3D40] =	vst v63  }
0xbb: {  	s7 =	rddreg [dreg:$0x1d]  }
0xbc: {  	[tilespmem:s14], [sflag:$0x8] =	stream.linear.gather [hbm4b:s31+s29], $0x500, $0x38;
	[tilespmem:$0x3D40] =	vst v63  }
.LBB2_4:
0xbd: {  	_ =	swait.ge [sflag:s22], $0x500  }
0xbe: {  	[sflag:s22] =	ssyncset.done $0x0  }
0xbf: {  	[sflag:s22] =	ssyncadd.s32 $0xFFFFFB00  }
0xc0: {  	_ =	swait.ge [sflag:s23], $0x50  }
0xc1: {  	[sflag:s23] =	ssyncset.done $0x0  }
0xc2: {  	[sflag:s23] =	ssyncadd.s32 $0xFFFFFFB0  }
0xc3: {  	[spmem:s19] =	stream.indirect.scatter.add.f32 [tilespmem:s9], [sflag:$0x9], $0x10, s1, s11, $0xb8;
	[tilespmem:$0x3D40] =	vst v63  }
0xc4: {  	_ =	swait.ge [sflag:s10], $0x500  }
0xc5: {  	s31 =	sshrl.u32 s6, $0x3;
	[sflag:s10] =	ssyncset.done $0x0  }
0xc6: {  	s31 =	sadd.s32 s2, s31;
	[sflag:s10] =	ssyncadd.s32 $0xFFFFFB00  }
0xc7: {  	[tilespmem:s1], [sflag:$0x1] =	stream.linear.gather [hbm4b:s31+s1], $0x50, $0x38;
	[tilespmem:$0x3D40] =	vst v63  }
0xc8: {  	s16 =	sadd.s32 s29, s21  }
0xc9: {  	[tilespmem:s9], [sflag:$0x5] =	stream.linear.gather [hbm4b:s16+s1], $0x500, $0x38;
	[tilespmem:$0x3D40] =	vst v63  }
0xca: {  	_ =	swait.ge [sflag:s18], $0x500  }
0xcb: {  	[sflag:s18] =	ssyncset.done $0x0  }
0xcc: {  	[sflag:s18] =	ssyncadd.s32 $0xFFFFFB00  }
0xcd: {  	_ =	swait.ge [sflag:s24], $0x50  }
0xce: {  	[sflag:s24] =	ssyncset.done $0x0  }
0xcf: {  	[sflag:s24] =	ssyncadd.s32 $0xFFFFFFB0  }
0xd0: {  	[spmem:s19] =	stream.indirect.scatter.add.f32 [tilespmem:s12], [sflag:$0x9], $0x10, s11, s11, $0xb8;
	[tilespmem:$0x3D40] =	vst v63  }
0xd1: {  	_ =	swait.ge [sflag:s10], $0x500  }
0xd2: {  	p0 =	seq.s32 s29, $0x4B00;
	[sflag:s10] =	ssyncset.done $0x0  }
0xd3: {  	s31 =	simm.s32 @p0 $0x7;
	[sflag:s10] =	ssyncadd.s32 $0xFFFFFB00  }
0xd4: {  	_ =	swait.ge @p0 [sflag:s31], $0x500  }
0xd5: {  	[sflag:s31] =	ssyncset.done @p0 $0x0  }
0xd6: {  	[sflag:s31] =	ssyncadd.s32 @p0 $0xFFFFFB00;
	s31 =	simm.s32 @p0 $0x3  }
0xd7: {  	_ =	swait.ge @p0 [sflag:s31], $0x50  }
0xd8: {  	s0 =	simm.s32 @p0 $0xB40;
	[sflag:s31] =	ssyncset.done @p0 $0x0  }
0xd9: {  	s16 =	simm.s32 @p0 $0xA0;
	[sflag:s31] =	ssyncadd.s32 @p0 $0xFFFFFFB0;
	s31 =	simm.s32 @p0 $0x50  }
0xda: {  	[spmem:s19] =	stream.indirect.scatter.add.f32 @p0 [tilespmem:s0], [sflag:$0x9], $0x10, s16, s31, $0xb8;
	[tilespmem:$0x3D40] =	vst v63  }
0xdb: {  	s0 =	simm.s32 @p0 $0x9  }
0xdc: {  	_ =	swait.ge @p0 [sflag:s0], $0x500  }
0xdd: {  	[sflag:s0] =	ssyncset.done @p0 $0x0  }
0xde: {  	s16 =	simm.s32 @!p0 $0x50;
	[sflag:s0] =	ssyncadd.s32 @p0 $0xFFFFFB00;
	s0 =	simm.s32 @!p0 $0x0  }
0xdf: {  	[tilespmem:s16], [sflag:$0x2] =	stream.linear.gather @!p0 [hbm4b:s8+s0], $0x50, $0x38;
	[tilespmem:$0x3D40] =	vst v63  }
0xe0: {  	s3 =	simm.s32 @!p0 $0x640;
	s31 =	sadd.s32 @!p0 s29, s20  }
0xe1: {  	[tilespmem:s3], [sflag:$0x6] =	stream.linear.gather @!p0 [hbm4b:s31+s0], $0x500, $0x38;
	[tilespmem:$0x3D40] =	vst v63  }
0xe2: {  	s3 =	simm.s32 @!p0 $0x7  }
0xe3: {  	_ =	swait.ge @!p0 [sflag:s3], $0x500  }
0xe4: {  	[sflag:s3] =	ssyncset.done @!p0 $0x0  }
0xe5: {  	[sflag:s3] =	ssyncadd.s32 @!p0 $0xFFFFFB00;
	s3 =	simm.s32 @!p0 $0x3  }
0xe6: {  	_ =	swait.ge @!p0 [sflag:s3], $0x50  }
0xe7: {  	[sflag:s3] =	ssyncset.done @!p0 $0x0  }
0xe8: {  	s31 =	simm.s32 @!p0 $0xB40;
	[sflag:s3] =	ssyncadd.s32 @!p0 $0xFFFFFFB0;
	s3 =	simm.s32 @!p0 $0xA0  }
0xe9: {  	[spmem:s19] =	stream.indirect.scatter.add.f32 @!p0 [tilespmem:s31], [sflag:$0x9], $0x10, s3, s16, $0xb8;
	[tilespmem:$0x3D40] =	vst v63  }
0xea: {  	s16 =	simm.s32 @!p0 $0x9  }
0xeb: {  	_ =	swait.ge @!p0 [sflag:s16], $0x500  }
0xec: {  	[sflag:s16] =	ssyncset.done @!p0 $0x0  }
0xed: {  	[sflag:s16] =	ssyncadd.s32 @!p0 $0xFFFFFB00  }
0xee: {  	[tilespmem:s3], [sflag:$0x3] =	stream.linear.gather @!p0 [hbm4b:s7+s0], $0x50, $0x38;
	[tilespmem:$0x3D40] =	vst v63  }
0xef: {  	s3 =	sadd.s32 @!p0 s29, s17  }
0xf0: {  	[tilespmem:s31], [sflag:$0x7] =	stream.linear.gather @!p0 [hbm4b:s3+s0], $0x500, $0x38;
	[tilespmem:$0x3D40] =	vst v63  }
0xf1: {  	_ =	swait.ge [sflag:s25], $0x500  }
0xf2: {  	[sflag:s25] =	ssyncset.done $0x0  }
0xf3: {  	[sflag:s25] =	ssyncadd.s32 $0xFFFFFB00  }
0xf4: {  	_ =	swait.ge [sflag:s26], $0x50  }
0xf5: {  	[sflag:s26] =	ssyncset.done $0x0  }
.Ltmp3:
0xf6: {  	[sflag:s26] =	ssyncadd.s32 $0xFFFFFFB0;
	(pc) =	sbr.rel @p0 .LBB2_6-.Ltmp3, $4  }
0xf7: {  	[spmem:s19] =	stream.indirect.scatter.add.f32 [tilespmem:s14], [sflag:$0x9], $0x10, s13, s11, $0xb8;
	[tilespmem:$0x3D40] =	vst v63  }
0xf8: {  	_ =	swait.ge [sflag:s10], $0x500  }
0xf9: {  	[sflag:s10] =	ssyncset.done $0x0  }
0xfa: {  	[sflag:s10] =	ssyncadd.s32 $0xFFFFFB00  }
.Ltmp4:
0xfb: {  	(pc) =	sbr.rel .LBB2_4-.Ltmp4, $4  }
0xfc: {  	[tilespmem:s13], [sflag:$0x4] =	stream.linear.gather [hbm4b:s30+s1], $0x50, $0x38;
	[tilespmem:$0x3D40] =	vst v63  }
0xfd: {  	s0 =	sadd.s32 s29, s15;
	s29 =	sadd.s32 $0x280, s29;
	s30 =	sadd.s32 $0x28, s30  }
0xfe: {  	s7 =	sadd.s32 $0x28, s7;
	s8 =	sadd.s32 $0x28, s8;
	s6 =	sadd.s32 $0x140, s6  }
0xff: {  	[tilespmem:s14], [sflag:$0x8] =	stream.linear.gather [hbm4b:s0+s1], $0x500, $0x38;
	[tilespmem:$0x3D40] =	vst v63  }
.LBB2_7:
0x100: {  	_ =	sfence.sel $0x180000  }
0x101: {  	[bflag:$0x0] =	sbarrier.arrive $0xFFFF  }
0x102: {  	_ =	strace $0x9000004A  }
0x103: {  	s0 =	stileid.u32;
	[bflag:$0x2] =	sbarrier.arrive $0xFFFF  }
0x104: {  	p0 =	sne.s32 s0, $0x0;
	s0 =	rddreg [dreg:$0x2]  }
0x105: {  	s0 =	sadd.s32 @!p0 $0x100000, s0  }
0x106: {  	[sflag:s0] =	ssyncadd.tile.s32 @!p0 $0x1;
	_ =	shalt  }
.Lfunc_end2:
_tile_overlayer_lowered:
.L_overlay_start_2:
0x107: {  	(tag) =	ssettag $0x2  }
0x108: {  	s0 =	rddreg [dreg:$0x0];
	s2 =	stileid.u32  }
0x109: {  	s1 =	rddreg [dreg:$0x1];
	p0 =	sne.s32 s2, $0x0  }
0x10a: {  	s3 =	rddreg [dreg:$0x2];
	[bflag:$0x3] =	sbarrier.arrive $0xFFFF;
	s2 =	simm.s32 @!p0 $0x1C09  }
0x10b: {  	[timem:s3], [sflag:s2] =	dma.local @!p0 [hbm:s0], s1  }
0x10c: {  	s0 =	simm.s32 @!p0 $0x9  }
0x10d: {  	_ =	swait.ge @!p0 [sflag:s0], s1  }
0x10e: {  	s1 =	ssub.s32 @!p0 $0x0, s1;
	[sflag:s0] =	ssyncset.done @!p0 $0x0  }
0x10f: {  	[sflag:s0] =	ssyncadd.s32 @!p0 s1  }
0x110: {  	[bflag:$0x3] =	sbarrier.arrive $0xFFFF  }
0x111: {  	_ =	shalt  }

</sc_bundles>
